<compile_context>
chip_gen: v7x
topology: tpu7x:2x2x1
jax: 0.10.2.dev20260603
libtpu: 0.0.44.dev20260713+nightly
codegen_flags: <defaults>
</compile_context>

<pallas_src>
import functools

import jax
import jax.numpy as jnp
from jax import lax
from jax.experimental import pallas as pl
from jax.experimental.pallas import tpu as pltpu
from jax.experimental.pallas import tpu_sc as plsc

D = 64
K = 1024
BETA = 0.25

ROWS = 16 * 1024
BLOCK_ROWS = 1024
NUM_BLOCKS = ROWS // BLOCK_ROWS

NUM_WORKERS = 32


def _assign_body(z_ref, e_ref, idx_ref, loss_ref, enb_ref, ids_ref):
    i = pl.program_id(0)
    e = e_ref[...]

    @pl.when(i == 0)
    def _prep():
        en = jnp.sum(e * e, axis=1)
        enb_ref[...] = jnp.broadcast_to(en[:, None], (K, BLOCK_ROWS))
        ids_ref[...] = lax.broadcasted_iota(
            jnp.int32, (K, BLOCK_ROWS), 0).astype(jnp.float32)

    z = z_ref[0]
    z2 = z * 2.0
    s2 = lax.dot_general(e, z2, (((1,), (0,)), ((), ())),
                         preferred_element_type=jnp.float32)
    zn = jnp.sum(z * z, axis=0)
    d = (zn[None, :] + enb_ref[...]) - s2
    col_min = jnp.min(d, axis=0)
    ids = ids_ref[...]
    idx_f = jnp.min(jnp.where(d == col_min[None, :], ids, float(K)), axis=0)
    idx_ref[0, 0, :] = idx_f.astype(jnp.int32)
    partial = jnp.sum(col_min)

    @pl.when(i == 0)
    def _init():
        loss_ref[0, 0] = partial

    @pl.when(i != 0)
    def _acc():
        loss_ref[0, 0] += partial


def _assign(z_t, embeddings):
    return pl.pallas_call(
        _assign_body,
        grid=(NUM_BLOCKS,),
        in_specs=[
            pl.BlockSpec((1, D, BLOCK_ROWS), lambda i: (i, 0, 0)),
            pl.BlockSpec((K, D), lambda i: (0, 0)),
        ],
        out_specs=[
            pl.BlockSpec((1, 1, BLOCK_ROWS), lambda i: (i, 0, 0)),
            pl.BlockSpec((1, 1), lambda i: (0, 0), memory_space=pltpu.SMEM),
        ],
        out_shape=[
            jax.ShapeDtypeStruct((NUM_BLOCKS, 1, BLOCK_ROWS), jnp.int32),
            jax.ShapeDtypeStruct((1, 1), jnp.float32),
        ],
        scratch_shapes=[
            pltpu.VMEM((K, BLOCK_ROWS), jnp.float32),
            pltpu.VMEM((K, BLOCK_ROWS), jnp.float32),
        ],
    )(z_t, embeddings)


_DG = 8
_PG = ROWS // (NUM_WORKERS // _DG)


def _gather_body(et_hbm, idx_hbm, out_hbm, et_v, idx_v, tv):
    wid = lax.axis_index("s") * 2 + lax.axis_index("c")
    dg = wid % _DG
    pg = wid // _DG
    pltpu.sync_copy(et_hbm.at[pl.ds(dg * _DG, _DG)], et_v)
    pltpu.sync_copy(idx_hbm.at[pl.ds(pg * _PG, _PG)], idx_v)

    @plsc.parallel_loop(0, _PG // 16, unroll=4)
    def _transpose(jj):
        idxv = idx_v[pl.ds(jj * 16, 16)]
        for d_ in range(_DG):
            row = jnp.full((16,), d_, jnp.int32)
            tv[d_, pl.ds(jj * 16, 16)] = plsc.load_gather(et_v, [row, idxv])

    for bb in range(_PG // 1024):
        pltpu.sync_copy(
            tv.at[:, pl.ds(bb * 1024, 1024)],
            out_hbm.at[pg * (_PG // 1024) + bb].at[pl.ds(dg * _DG, _DG), :],
        )


@functools.cache
def _gather():
    mesh = plsc.VectorSubcoreMesh(core_axis_name="c", subcore_axis_name="s")
    return pl.kernel(
        _gather_body,
        out_type=jax.ShapeDtypeStruct((16, D, 1024), jnp.float32),
        mesh=mesh,
        scratch_types=[
            pltpu.VMEM((_DG, K), jnp.float32),
            pltpu.VMEM((_PG,), jnp.int32),
            pltpu.VMEM((_DG, _PG), jnp.float32),
        ],
        compiler_params=pltpu.CompilerParams(needs_layout_passes=False),
    )


def kernel(z_e, embeddings):
    z_t = jnp.transpose(z_e, (0, 2, 1))
    idx3, loss_sum = _assign(z_t, embeddings)
    idx = idx3.reshape(ROWS)
    emb_t = jnp.transpose(embeddings)
    zq_t = _gather()(emb_t, idx)
    z_q_st = jnp.transpose(zq_t, (0, 2, 1))
    vq_loss = loss_sum[0, 0] * ((1.0 + BETA) / float(ROWS * D))
    return z_q_st, vq_loss

# --- scband reference (transcript-rebuilt; emitter-appended) ---
"""Pipeline reference for scband-vector-quantization-16604343566481 (READ-ONLY COPY).

The authoritative reference and input builder live on the scoring server;
editing this copy changes nothing except your own understanding.
"""

import jax, jax.numpy as jnp
import numpy as np

EMBEDDING_DIM = 64
NUM_EMBEDDINGS = 1024
COMMITMENT_COST = 0.25


def setup_inputs(seed: int = 0) -> dict:
    key = jax.random.key(seed)
    k1, k2 = jax.random.split(key)
    z_e = jax.random.normal(k1, (16, 1024, EMBEDDING_DIM), dtype=jnp.float32)
    # nn.Embedding weight initialized uniform(-1/K, 1/K)
    embeddings = jax.random.uniform(
        k2, (NUM_EMBEDDINGS, EMBEDDING_DIM), dtype=jnp.float32,
        minval=-1.0 / NUM_EMBEDDINGS, maxval=1.0 / NUM_EMBEDDINGS)
    return {"z_e": z_e, "embeddings": embeddings}


def reference(z_e, embeddings):
    batch_size = z_e.shape[0]
    z_e_flattened = z_e.reshape(-1, EMBEDDING_DIM)
    distances = (jnp.sum(z_e_flattened ** 2, axis=1, keepdims=True)
                 + jnp.sum(embeddings ** 2, axis=1)
                 - 2.0 * jnp.matmul(z_e_flattened, embeddings.T))
    encoding_indices = jnp.argmin(distances, axis=1)
    encoding_indices = encoding_indices.reshape(batch_size, -1)
    # one-hot scatter followed by matmul with the codebook (faithful to torch scatter_)
    one_hot_encodings = jax.nn.one_hot(encoding_indices, NUM_EMBEDDINGS, dtype=z_e.dtype)
    z_q = jnp.matmul(one_hot_encodings, embeddings)
    z_q = z_q.reshape(z_e.shape)
    loss_1 = jnp.mean((jax.lax.stop_gradient(z_e) - z_q) ** 2)
    loss_2 = jnp.mean((z_e - jax.lax.stop_gradient(z_q)) ** 2)
    vq_loss = loss_1 + COMMITMENT_COST * loss_2
    z_q_st = z_e + jax.lax.stop_gradient(z_q - z_e)
    return (z_q_st, vq_loss)

if __name__ == "__main__":
    import jax
    _d = setup_inputs()
    print(jax.jit(kernel)(*tuple(_d.values())))

</pallas_src>

<mosaic_0001>
#map = affine_map<(d0, d1) -> (0, 0)>
#map1 = affine_map<(d0, d1) -> (0)>
#map2 = affine_map<(d0, d1) -> (0, 0, 0)>
module attributes {stable_mosaic.version = 14 : i64} {
  func.func @_gather_body(%arg0: i32, %arg1: i32, %arg2: memref<64x1024xf32, #tpu.memory_space<hbm>>, %arg3: memref<16384xi32, #tpu.memory_space<hbm>>, %arg4: memref<16x64x1024xf32, #tpu.memory_space<hbm>>, %arg5: memref<8x1024xf32, #tpu.memory_space<vmem>>, %arg6: memref<4096xi32, #tpu.memory_space<vmem>>, %arg7: memref<8x4096xf32, #tpu.memory_space<vmem>>) attributes {dimension_semantics = [#tpu.dimension_semantics<core_parallel>, #tpu.dimension_semantics<subcore_parallel>], iteration_bounds = array<i64: 2, 16>, scalar_prefetch = 0 : i64, scratch_operands = 3 : i64, tpu.core_type = #tpu.core_type<sc_vector_subcore>, window_params = [{transform_indices = #map}, {transform_indices = #map1}, {transform_indices = #map2}]} {
    %mul3A = arith.constant 2 : i32
    %mul3A_0 = arith.muli %arg1, %mul3A : i32
    %add3A = arith.addi %mul3A_0, %arg0 : i32
    %jit3A = arith.constant 8 : i32
    %eq3A = arith.constant 0 : i32
    %eq3A_1 = arith.cmpi eq, %jit3A, %eq3A : i32
    %jit3A_2 = arith.constant 1 : i32
    %select_n3A = arith.select %eq3A_1, %jit3A_2, %jit3A : i32
    %rem3A = arith.remsi %add3A, %select_n3A : i32
    %ne3A = arith.constant 0 : i32
    %ne3A_3 = arith.cmpi ne, %rem3A, %ne3A : i32
    %lt3A = arith.constant 0 : i32
    %lt3A_4 = arith.cmpi slt, %rem3A, %lt3A : i32
    %lt3A_5 = arith.constant 0 : i32
    %lt3A_6 = arith.cmpi slt, %select_n3A, %lt3A_5 : i32
    %ne3A_7 = arith.xori %lt3A_4, %lt3A_6 : i1
    %and3A = arith.andi %ne3A_7, %ne3A_3 : i1
    %add3A_8 = arith.addi %rem3A, %select_n3A : i32
    %select_n3A_9 = arith.select %and3A, %add3A_8, %rem3A : i32
    %jit3A_10 = arith.constant 8 : i32
    %div3A = arith.divsi %add3A, %jit3A_10 : i32
    %sign3A = arith.constant 0 : i32
    %sign3A_11 = arith.cmpi sgt, %add3A, %sign3A : i32
    %sign3A_12 = arith.extui %sign3A_11 : i1 to i32
    %sign3A_13 = arith.constant 0 : i32
    %sign3A_14 = arith.cmpi slt, %add3A, %sign3A_13 : i32
    %sign3A_15 = arith.extui %sign3A_14 : i1 to i32
    %sign3A_16 = arith.subi %sign3A_12, %sign3A_15 : i32
    %sign3A_17 = arith.constant 0 : i32
    %sign3A_18 = arith.cmpi sgt, %jit3A_10, %sign3A_17 : i32
    %sign3A_19 = arith.extui %sign3A_18 : i1 to i32
    %sign3A_20 = arith.constant 0 : i32
    %sign3A_21 = arith.cmpi slt, %jit3A_10, %sign3A_20 : i32
    %sign3A_22 = arith.extui %sign3A_21 : i1 to i32
    %sign3A_23 = arith.subi %sign3A_19, %sign3A_22 : i32
    %ne3A_24 = arith.cmpi ne, %sign3A_16, %sign3A_23 : i32
    %rem3A_25 = arith.remsi %add3A, %jit3A_10 : i32
    %ne3A_26 = arith.constant 0 : i32
    %ne3A_27 = arith.cmpi ne, %rem3A_25, %ne3A_26 : i32
    %and3A_28 = arith.andi %ne3A_24, %ne3A_27 : i1
    %sub3A = arith.constant 1 : i32
    %sub3A_29 = arith.subi %div3A, %sub3A : i32
    %select_n3A_30 = arith.select %and3A_28, %sub3A_29, %div3A : i32
    %mul3A_31 = arith.constant 8 : i32
    %mul3A_32 = arith.muli %select_n3A_9, %mul3A_31 : i32
    "tpu.region"() ({
      %run_scoped3A = tpu.sem_alloc : memref<!tpu.dma_semaphore, #tpu.memory_space<semaphore_mem>>
      %dma_start3A = arith.constant 0 : i32
      %dma_start3A_61 = tpu.memref_slice %arg2[%mul3A_32, %dma_start3A] : memref<64x1024xf32, #tpu.memory_space<hbm>> -> memref<8x1024xf32, #tpu.memory_space<hbm>>
      %dma_start3A_62 = arith.constant 0 : i32
      %dma_start3A_63 = tpu.memref_slice %arg2[%mul3A_32, %dma_start3A_62] : memref<64x1024xf32, #tpu.memory_space<hbm>> -> memref<8x1024xf32, #tpu.memory_space<hbm>>
      tpu.enqueue_dma source(%dma_start3A_63 : memref<8x1024xf32, #tpu.memory_space<hbm>>) target(%arg5 : memref<8x1024xf32, #tpu.memory_space<vmem>>) target_semaphore(%run_scoped3A : memref<!tpu.dma_semaphore, #tpu.memory_space<semaphore_mem>>)
      %dma_wait3A = arith.constant 0 : i32
      %dma_wait3A_64 = tpu.memref_slice %arg2[%mul3A_32, %dma_wait3A] : memref<64x1024xf32, #tpu.memory_space<hbm>> -> memref<8x1024xf32, #tpu.memory_space<hbm>>
      %dma_wait3A_65 = arith.constant 0 : i32
      %dma_wait3A_66 = tpu.memref_slice %arg2[%mul3A_32, %dma_wait3A_65] : memref<64x1024xf32, #tpu.memory_space<hbm>> -> memref<8x1024xf32, #tpu.memory_space<hbm>>
      tpu.wait_dma2 semaphore(%run_scoped3A : memref<!tpu.dma_semaphore, #tpu.memory_space<semaphore_mem>>) src(%dma_wait3A_66 : memref<8x1024xf32, #tpu.memory_space<hbm>>) dst(%arg5 : memref<8x1024xf32, #tpu.memory_space<vmem>>)
      tpu.yield
    }) : () -> ()
    %mul3A_33 = arith.constant 4096 : i32
    %mul3A_34 = arith.muli %select_n3A_30, %mul3A_33 : i32
    "tpu.region"() ({
      %run_scoped3A = tpu.sem_alloc : memref<!tpu.dma_semaphore, #tpu.memory_space<semaphore_mem>>
      %dma_start3A = tpu.memref_slice %arg3[%mul3A_34] : memref<16384xi32, #tpu.memory_space<hbm>> -> memref<4096xi32, #tpu.memory_space<hbm>>
      %dma_start3A_61 = tpu.memref_slice %arg3[%mul3A_34] : memref<16384xi32, #tpu.memory_space<hbm>> -> memref<4096xi32, #tpu.memory_space<hbm>>
      tpu.enqueue_dma source(%dma_start3A_61 : memref<4096xi32, #tpu.memory_space<hbm>>) target(%arg6 : memref<4096xi32, #tpu.memory_space<vmem>>) target_semaphore(%run_scoped3A : memref<!tpu.dma_semaphore, #tpu.memory_space<semaphore_mem>>)
      %dma_wait3A = tpu.memref_slice %arg3[%mul3A_34] : memref<16384xi32, #tpu.memory_space<hbm>> -> memref<4096xi32, #tpu.memory_space<hbm>>
      %dma_wait3A_62 = tpu.memref_slice %arg3[%mul3A_34] : memref<16384xi32, #tpu.memory_space<hbm>> -> memref<4096xi32, #tpu.memory_space<hbm>>
      tpu.wait_dma2 semaphore(%run_scoped3A : memref<!tpu.dma_semaphore, #tpu.memory_space<semaphore_mem>>) src(%dma_wait3A_62 : memref<4096xi32, #tpu.memory_space<hbm>>) dst(%arg6 : memref<4096xi32, #tpu.memory_space<vmem>>)
      tpu.yield
    }) : () -> ()
    %parallel_loop3A = arith.constant 0 : i32
    %parallel_loop3A_35 = arith.constant 256 : i32
    %parallel_loop3A_36 = arith.constant 1 : i32
    scf.for %parallel_loop3A_61 = %parallel_loop3A to %parallel_loop3A_35 step %parallel_loop3A_36  : i32 {
      %parallel_loop3A_62 = arith.constant 16 : i32
      %parallel_loop3A_63 = arith.muli %parallel_loop3A_61, %parallel_loop3A_62 : i32
      %parallel_loop3A_64 = arith.index_cast %parallel_loop3A_63 : i32 to index
      %parallel_loop3A_65 = tpu.vector_load %arg6[%parallel_loop3A_64] {strides = array<i32>} : memref<4096xi32, #tpu.memory_space<vmem>>, vector<16xi32>,
      %parallel_loop3A_66 = arith.constant 0 : i32
      %parallel_loop3A_67 = vector.broadcast %parallel_loop3A_66 : i32 to vector<16xi32>
      %parallel_loop3A_68 = tpu.vector_load_idx %arg5[%parallel_loop3A_67, %parallel_loop3A_65] : memref<8x1024xf32, #tpu.memory_space<vmem>>[vector<16xi32>, vector<16xi32>], vector<16xf32>,
      %parallel_loop3A_69 = arith.constant 16 : i32
      %parallel_loop3A_70 = arith.muli %parallel_loop3A_61, %parallel_loop3A_69 : i32
      %parallel_loop3A_71 = arith.constant 0 : i32
      %parallel_loop3A_72 = arith.index_cast %parallel_loop3A_71 : i32 to index
      %parallel_loop3A_73 = arith.index_cast %parallel_loop3A_70 : i32 to index
      %parallel_loop3A_74 = tpu.vector_load %arg7[%parallel_loop3A_72, %parallel_loop3A_73] {strides = array<i32>} : memref<8x4096xf32, #tpu.memory_space<vmem>>, vector<16xf32>,
      tpu.vector_store %arg7[%parallel_loop3A_72, %parallel_loop3A_73], %parallel_loop3A_68 {strides = array<i32>} : memref<8x4096xf32, #tpu.memory_space<vmem>>, vector<16xf32>,
      %parallel_loop3A_75 = arith.constant 1 : i32
      %parallel_loop3A_76 = vector.broadcast %parallel_loop3A_75 : i32 to vector<16xi32>
      %parallel_loop3A_77 = tpu.vector_load_idx %arg5[%parallel_loop3A_76, %parallel_loop3A_65] : memref<8x1024xf32, #tpu.memory_space<vmem>>[vector<16xi32>, vector<16xi32>], vector<16xf32>,
      %parallel_loop3A_78 = arith.constant 16 : i32
      %parallel_loop3A_79 = arith.muli %parallel_loop3A_61, %parallel_loop3A_78 : i32
      %parallel_loop3A_80 = arith.constant 1 : i32
      %parallel_loop3A_81 = arith.index_cast %parallel_loop3A_80 : i32 to index
      %parallel_loop3A_82 = arith.index_cast %parallel_loop3A_79 : i32 to index
      %parallel_loop3A_83 = tpu.vector_load %arg7[%parallel_loop3A_81, %parallel_loop3A_82] {strides = array<i32>} : memref<8x4096xf32, #tpu.memory_space<vmem>>, vector<16xf32>,
      tpu.vector_store %arg7[%parallel_loop3A_81, %parallel_loop3A_82], %parallel_loop3A_77 {strides = array<i32>} : memref<8x4096xf32, #tpu.memory_space<vmem>>, vector<16xf32>,
      %parallel_loop3A_84 = arith.constant 2 : i32
      %parallel_loop3A_85 = vector.broadcast %parallel_loop3A_84 : i32 to vector<16xi32>
      %parallel_loop3A_86 = tpu.vector_load_idx %arg5[%parallel_loop3A_85, %parallel_loop3A_65] : memref<8x1024xf32, #tpu.memory_space<vmem>>[vector<16xi32>, vector<16xi32>], vector<16xf32>,
      %parallel_loop3A_87 = arith.constant 16 : i32
      %parallel_loop3A_88 = arith.muli %parallel_loop3A_61, %parallel_loop3A_87 : i32
      %parallel_loop3A_89 = arith.constant 2 : i32
      %parallel_loop3A_90 = arith.index_cast %parallel_loop3A_89 : i32 to index
      %parallel_loop3A_91 = arith.index_cast %parallel_loop3A_88 : i32 to index
      %parallel_loop3A_92 = tpu.vector_load %arg7[%parallel_loop3A_90, %parallel_loop3A_91] {strides = array<i32>} : memref<8x4096xf32, #tpu.memory_space<vmem>>, vector<16xf32>,
      tpu.vector_store %arg7[%parallel_loop3A_90, %parallel_loop3A_91], %parallel_loop3A_86 {strides = array<i32>} : memref<8x4096xf32, #tpu.memory_space<vmem>>, vector<16xf32>,
      %parallel_loop3A_93 = arith.constant 3 : i32
      %parallel_loop3A_94 = vector.broadcast %parallel_loop3A_93 : i32 to vector<16xi32>
      %parallel_loop3A_95 = tpu.vector_load_idx %arg5[%parallel_loop3A_94, %parallel_loop3A_65] : memref<8x1024xf32, #tpu.memory_space<vmem>>[vector<16xi32>, vector<16xi32>], vector<16xf32>,
      %parallel_loop3A_96 = arith.constant 16 : i32
      %parallel_loop3A_97 = arith.muli %parallel_loop3A_61, %parallel_loop3A_96 : i32
      %parallel_loop3A_98 = arith.constant 3 : i32
      %parallel_loop3A_99 = arith.index_cast %parallel_loop3A_98 : i32 to index
      %parallel_loop3A_100 = arith.index_cast %parallel_loop3A_97 : i32 to index
      %parallel_loop3A_101 = tpu.vector_load %arg7[%parallel_loop3A_99, %parallel_loop3A_100] {strides = array<i32>} : memref<8x4096xf32, #tpu.memory_space<vmem>>, vector<16xf32>,
      tpu.vector_store %arg7[%parallel_loop3A_99, %parallel_loop3A_100], %parallel_loop3A_95 {strides = array<i32>} : memref<8x4096xf32, #tpu.memory_space<vmem>>, vector<16xf32>,
      %parallel_loop3A_102 = arith.constant 4 : i32
      %parallel_loop3A_103 = vector.broadcast %parallel_loop3A_102 : i32 to vector<16xi32>
      %parallel_loop3A_104 = tpu.vector_load_idx %arg5[%parallel_loop3A_103, %parallel_loop3A_65] : memref<8x1024xf32, #tpu.memory_space<vmem>>[vector<16xi32>, vector<16xi32>], vector<16xf32>,
      %parallel_loop3A_105 = arith.constant 16 : i32
      %parallel_loop3A_106 = arith.muli %parallel_loop3A_61, %parallel_loop3A_105 : i32
      %parallel_loop3A_107 = arith.constant 4 : i32
      %parallel_loop3A_108 = arith.index_cast %parallel_loop3A_107 : i32 to index
      %parallel_loop3A_109 = arith.index_cast %parallel_loop3A_106 : i32 to index
      %parallel_loop3A_110 = tpu.vector_load %arg7[%parallel_loop3A_108, %parallel_loop3A_109] {strides = array<i32>} : memref<8x4096xf32, #tpu.memory_space<vmem>>, vector<16xf32>,
      tpu.vector_store %arg7[%parallel_loop3A_108, %parallel_loop3A_109], %parallel_loop3A_104 {strides = array<i32>} : memref<8x4096xf32, #tpu.memory_space<vmem>>, vector<16xf32>,
      %parallel_loop3A_111 = arith.constant 5 : i32
      %parallel_loop3A_112 = vector.broadcast %parallel_loop3A_111 : i32 to vector<16xi32>
      %parallel_loop3A_113 = tpu.vector_load_idx %arg5[%parallel_loop3A_112, %parallel_loop3A_65] : memref<8x1024xf32, #tpu.memory_space<vmem>>[vector<16xi32>, vector<16xi32>], vector<16xf32>,
      %parallel_loop3A_114 = arith.constant 16 : i32
      %parallel_loop3A_115 = arith.muli %parallel_loop3A_61, %parallel_loop3A_114 : i32
      %parallel_loop3A_116 = arith.constant 5 : i32
      %parallel_loop3A_117 = arith.index_cast %parallel_loop3A_116 : i32 to index
      %parallel_loop3A_118 = arith.index_cast %parallel_loop3A_115 : i32 to index
      %parallel_loop3A_119 = tpu.vector_load %arg7[%parallel_loop3A_117, %parallel_loop3A_118] {strides = array<i32>} : memref<8x4096xf32, #tpu.memory_space<vmem>>, vector<16xf32>,
      tpu.vector_store %arg7[%parallel_loop3A_117, %parallel_loop3A_118], %parallel_loop3A_113 {strides = array<i32>} : memref<8x4096xf32, #tpu.memory_space<vmem>>, vector<16xf32>,
      %parallel_loop3A_120 = arith.constant 6 : i32
      %parallel_loop3A_121 = vector.broadcast %parallel_loop3A_120 : i32 to vector<16xi32>
      %parallel_loop3A_122 = tpu.vector_load_idx %arg5[%parallel_loop3A_121, %parallel_loop3A_65] : memref<8x1024xf32, #tpu.memory_space<vmem>>[vector<16xi32>, vector<16xi32>], vector<16xf32>,
      %parallel_loop3A_123 = arith.constant 16 : i32
      %parallel_loop3A_124 = arith.muli %parallel_loop3A_61, %parallel_loop3A_123 : i32
      %parallel_loop3A_125 = arith.constant 6 : i32
      %parallel_loop3A_126 = arith.index_cast %parallel_loop3A_125 : i32 to index
      %parallel_loop3A_127 = arith.index_cast %parallel_loop3A_124 : i32 to index
      %parallel_loop3A_128 = tpu.vector_load %arg7[%parallel_loop3A_126, %parallel_loop3A_127] {strides = array<i32>} : memref<8x4096xf32, #tpu.memory_space<vmem>>, vector<16xf32>,
      tpu.vector_store %arg7[%parallel_loop3A_126, %parallel_loop3A_127], %parallel_loop3A_122 {strides = array<i32>} : memref<8x4096xf32, #tpu.memory_space<vmem>>, vector<16xf32>,
      %parallel_loop3A_129 = arith.constant 7 : i32
      %parallel_loop3A_130 = vector.broadcast %parallel_loop3A_129 : i32 to vector<16xi32>
      %parallel_loop3A_131 = tpu.vector_load_idx %arg5[%parallel_loop3A_130, %parallel_loop3A_65] : memref<8x1024xf32, #tpu.memory_space<vmem>>[vector<16xi32>, vector<16xi32>], vector<16xf32>,
      %parallel_loop3A_132 = arith.constant 16 : i32
      %parallel_loop3A_133 = arith.muli %parallel_loop3A_61, %parallel_loop3A_132 : i32
      %parallel_loop3A_134 = arith.constant 7 : i32
      %parallel_loop3A_135 = arith.index_cast %parallel_loop3A_134 : i32 to index
      %parallel_loop3A_136 = arith.index_cast %parallel_loop3A_133 : i32 to index
      %parallel_loop3A_137 = tpu.vector_load %arg7[%parallel_loop3A_135, %parallel_loop3A_136] {strides = array<i32>} : memref<8x4096xf32, #tpu.memory_space<vmem>>, vector<16xf32>,
      tpu.vector_store %arg7[%parallel_loop3A_135, %parallel_loop3A_136], %parallel_loop3A_131 {strides = array<i32>} : memref<8x4096xf32, #tpu.memory_space<vmem>>, vector<16xf32>,
    } {sc.loop_unroll_factor = 4 : i64, sc.parallel_access}
    %mul3A_37 = arith.constant 4 : i32
    %mul3A_38 = arith.muli %select_n3A_30, %mul3A_37 : i32
    %add3A_39 = arith.constant 0 : i32
    %add3A_40 = arith.addi %mul3A_38, %add3A_39 : i32
    %mul3A_41 = arith.constant 8 : i32
    %mul3A_42 = arith.muli %select_n3A_9, %mul3A_41 : i32
    "tpu.region"() ({
      %run_scoped3A = tpu.sem_alloc : memref<!tpu.dma_semaphore, #tpu.memory_space<semaphore_mem>>
      %dma_start3A = arith.constant 0 : i32
      %dma_start3A_61 = arith.constant 0 : i32
      %dma_start3A_62 = tpu.memref_slice %arg7[%dma_start3A, %dma_start3A_61] : memref<8x4096xf32, #tpu.memory_space<vmem>> -> memref<8x1024xf32, #tpu.memory_space<vmem>>
      %dma_start3A_63 = arith.constant 0 : i32
      %dma_start3A_64 = arith.constant 0 : i32
      %dma_start3A_65 = tpu.memref_slice %arg4[%add3A_40, %dma_start3A_63, %dma_start3A_64] : memref<16x64x1024xf32, #tpu.memory_space<hbm>> -> memref<1x64x1024xf32, #tpu.memory_space<hbm>>
      %dma_start3A_66 = tpu.memref_squeeze %dma_start3A_65 : memref<1x64x1024xf32, #tpu.memory_space<hbm>> -> memref<64x1024xf32, #tpu.memory_space<hbm>>
      %dma_start3A_67 = arith.constant 0 : i32
      %dma_start3A_68 = tpu.memref_slice %dma_start3A_66[%mul3A_42, %dma_start3A_67] : memref<64x1024xf32, #tpu.memory_space<hbm>> -> memref<8x1024xf32, #tpu.memory_space<hbm>>
      %dma_start3A_69 = arith.constant 0 : i32
      %dma_start3A_70 = arith.constant 0 : i32
      %dma_start3A_71 = tpu.memref_slice %arg4[%add3A_40, %dma_start3A_69, %dma_start3A_70] : memref<16x64x1024xf32, #tpu.memory_space<hbm>> -> memref<1x64x1024xf32, #tpu.memory_space<hbm>>
      %dma_start3A_72 = tpu.memref_squeeze %dma_start3A_71 : memref<1x64x1024xf32, #tpu.memory_space<hbm>> -> memref<64x1024xf32, #tpu.memory_space<hbm>>
      %dma_start3A_73 = arith.constant 0 : i32
      %dma_start3A_74 = tpu.memref_slice %dma_start3A_72[%mul3A_42, %dma_start3A_73] : memref<64x1024xf32, #tpu.memory_space<hbm>> -> memref<8x1024xf32, #tpu.memory_space<hbm>>
      %dma_start3A_75 = arith.constant 0 : i32
      %dma_start3A_76 = arith.constant 0 : i32
      %dma_start3A_77 = tpu.memref_slice %arg7[%dma_start3A_75, %dma_start3A_76] : memref<8x4096xf32, #tpu.memory_space<vmem>> -> memref<8x1024xf32, #tpu.memory_space<vmem>>
      tpu.enqueue_dma source(%dma_start3A_77 : memref<8x1024xf32, #tpu.memory_space<vmem>>) target(%dma_start3A_74 : memref<8x1024xf32, #tpu.memory_space<hbm>>) target_semaphore(%run_scoped3A : memref<!tpu.dma_semaphore, #tpu.memory_space<semaphore_mem>>)
      %dma_wait3A = arith.constant 0 : i32
      %dma_wait3A_78 = arith.constant 0 : i32
      %dma_wait3A_79 = tpu.memref_slice %arg7[%dma_wait3A, %dma_wait3A_78] : memref<8x4096xf32, #tpu.memory_space<vmem>> -> memref<8x1024xf32, #tpu.memory_space<vmem>>
      %dma_wait3A_80 = arith.constant 0 : i32
      %dma_wait3A_81 = arith.constant 0 : i32
      %dma_wait3A_82 = tpu.memref_slice %arg4[%add3A_40, %dma_wait3A_80, %dma_wait3A_81] : memref<16x64x1024xf32, #tpu.memory_space<hbm>> -> memref<1x64x1024xf32, #tpu.memory_space<hbm>>
      %dma_wait3A_83 = tpu.memref_squeeze %dma_wait3A_82 : memref<1x64x1024xf32, #tpu.memory_space<hbm>> -> memref<64x1024xf32, #tpu.memory_space<hbm>>
      %dma_wait3A_84 = arith.constant 0 : i32
      %dma_wait3A_85 = tpu.memref_slice %dma_wait3A_83[%mul3A_42, %dma_wait3A_84] : memref<64x1024xf32, #tpu.memory_space<hbm>> -> memref<8x1024xf32, #tpu.memory_space<hbm>>
      %dma_wait3A_86 = arith.constant 0 : i32
      %dma_wait3A_87 = arith.constant 0 : i32
      %dma_wait3A_88 = tpu.memref_slice %arg4[%add3A_40, %dma_wait3A_86, %dma_wait3A_87] : memref<16x64x1024xf32, #tpu.memory_space<hbm>> -> memref<1x64x1024xf32, #tpu.memory_space<hbm>>
      %dma_wait3A_89 = tpu.memref_squeeze %dma_wait3A_88 : memref<1x64x1024xf32, #tpu.memory_space<hbm>> -> memref<64x1024xf32, #tpu.memory_space<hbm>>
      %dma_wait3A_90 = arith.constant 0 : i32
      %dma_wait3A_91 = tpu.memref_slice %dma_wait3A_89[%mul3A_42, %dma_wait3A_90] : memref<64x1024xf32, #tpu.memory_space<hbm>> -> memref<8x1024xf32, #tpu.memory_space<hbm>>
      %dma_wait3A_92 = arith.constant 0 : i32
      %dma_wait3A_93 = arith.constant 0 : i32
      %dma_wait3A_94 = tpu.memref_slice %arg7[%dma_wait3A_92, %dma_wait3A_93] : memref<8x4096xf32, #tpu.memory_space<vmem>> -> memref<8x1024xf32, #tpu.memory_space<vmem>>
      tpu.wait_dma2 semaphore(%run_scoped3A : memref<!tpu.dma_semaphore, #tpu.memory_space<semaphore_mem>>) src(%dma_wait3A_94 : memref<8x1024xf32, #tpu.memory_space<vmem>>) dst(%dma_wait3A_91 : memref<8x1024xf32, #tpu.memory_space<hbm>>)
      tpu.yield
    }) : () -> ()
    %mul3A_43 = arith.constant 4 : i32
    %mul3A_44 = arith.muli %select_n3A_30, %mul3A_43 : i32
    %add3A_45 = arith.constant 1 : i32
    %add3A_46 = arith.addi %mul3A_44, %add3A_45 : i32
    %mul3A_47 = arith.constant 8 : i32
    %mul3A_48 = arith.muli %select_n3A_9, %mul3A_47 : i32
    "tpu.region"() ({
      %run_scoped3A = tpu.sem_alloc : memref<!tpu.dma_semaphore, #tpu.memory_space<semaphore_mem>>
      %dma_start3A = arith.constant 0 : i32
      %dma_start3A_61 = arith.constant 1024 : i32
      %dma_start3A_62 = tpu.memref_slice %arg7[%dma_start3A, %dma_start3A_61] : memref<8x4096xf32, #tpu.memory_space<vmem>> -> memref<8x1024xf32, #tpu.memory_space<vmem>>
      %dma_start3A_63 = arith.constant 0 : i32
      %dma_start3A_64 = arith.constant 0 : i32
      %dma_start3A_65 = tpu.memref_slice %arg4[%add3A_46, %dma_start3A_63, %dma_start3A_64] : memref<16x64x1024xf32, #tpu.memory_space<hbm>> -> memref<1x64x1024xf32, #tpu.memory_space<hbm>>
      %dma_start3A_66 = tpu.memref_squeeze %dma_start3A_65 : memref<1x64x1024xf32, #tpu.memory_space<hbm>> -> memref<64x1024xf32, #tpu.memory_space<hbm>>
      %dma_start3A_67 = arith.constant 0 : i32
      %dma_start3A_68 = tpu.memref_slice %dma_start3A_66[%mul3A_48, %dma_start3A_67] : memref<64x1024xf32, #tpu.memory_space<hbm>> -> memref<8x1024xf32, #tpu.memory_space<hbm>>
      %dma_start3A_69 = arith.constant 0 : i32
      %dma_start3A_70 = arith.constant 0 : i32
      %dma_start3A_71 = tpu.memref_slice %arg4[%add3A_46, %dma_start3A_69, %dma_start3A_70] : memref<16x64x1024xf32, #tpu.memory_space<hbm>> -> memref<1x64x1024xf32, #tpu.memory_space<hbm>>
      %dma_start3A_72 = tpu.memref_squeeze %dma_start3A_71 : memref<1x64x1024xf32, #tpu.memory_space<hbm>> -> memref<64x1024xf32, #tpu.memory_space<hbm>>
      %dma_start3A_73 = arith.constant 0 : i32
      %dma_start3A_74 = tpu.memref_slice %dma_start3A_72[%mul3A_48, %dma_start3A_73] : memref<64x1024xf32, #tpu.memory_space<hbm>> -> memref<8x1024xf32, #tpu.memory_space<hbm>>
      %dma_start3A_75 = arith.constant 0 : i32
      %dma_start3A_76 = arith.constant 1024 : i32
      %dma_start3A_77 = tpu.memref_slice %arg7[%dma_start3A_75, %dma_start3A_76] : memref<8x4096xf32, #tpu.memory_space<vmem>> -> memref<8x1024xf32, #tpu.memory_space<vmem>>
      tpu.enqueue_dma source(%dma_start3A_77 : memref<8x1024xf32, #tpu.memory_space<vmem>>) target(%dma_start3A_74 : memref<8x1024xf32, #tpu.memory_space<hbm>>) target_semaphore(%run_scoped3A : memref<!tpu.dma_semaphore, #tpu.memory_space<semaphore_mem>>)
      %dma_wait3A = arith.constant 0 : i32
      %dma_wait3A_78 = arith.constant 1024 : i32
      %dma_wait3A_79 = tpu.memref_slice %arg7[%dma_wait3A, %dma_wait3A_78] : memref<8x4096xf32, #tpu.memory_space<vmem>> -> memref<8x1024xf32, #tpu.memory_space<vmem>>
      %dma_wait3A_80 = arith.constant 0 : i32
      %dma_wait3A_81 = arith.constant 0 : i32
      %dma_wait3A_82 = tpu.memref_slice %arg4[%add3A_46, %dma_wait3A_80, %dma_wait3A_81] : memref<16x64x1024xf32, #tpu.memory_space<hbm>> -> memref<1x64x1024xf32, #tpu.memory_space<hbm>>
      %dma_wait3A_83 = tpu.memref_squeeze %dma_wait3A_82 : memref<1x64x1024xf32, #tpu.memory_space<hbm>> -> memref<64x1024xf32, #tpu.memory_space<hbm>>
      %dma_wait3A_84 = arith.constant 0 : i32
      %dma_wait3A_85 = tpu.memref_slice %dma_wait3A_83[%mul3A_48, %dma_wait3A_84] : memref<64x1024xf32, #tpu.memory_space<hbm>> -> memref<8x1024xf32, #tpu.memory_space<hbm>>
      %dma_wait3A_86 = arith.constant 0 : i32
      %dma_wait3A_87 = arith.constant 0 : i32
      %dma_wait3A_88 = tpu.memref_slice %arg4[%add3A_46, %dma_wait3A_86, %dma_wait3A_87] : memref<16x64x1024xf32, #tpu.memory_space<hbm>> -> memref<1x64x1024xf32, #tpu.memory_space<hbm>>
      %dma_wait3A_89 = tpu.memref_squeeze %dma_wait3A_88 : memref<1x64x1024xf32, #tpu.memory_space<hbm>> -> memref<64x1024xf32, #tpu.memory_space<hbm>>
      %dma_wait3A_90 = arith.constant 0 : i32
      %dma_wait3A_91 = tpu.memref_slice %dma_wait3A_89[%mul3A_48, %dma_wait3A_90] : memref<64x1024xf32, #tpu.memory_space<hbm>> -> memref<8x1024xf32, #tpu.memory_space<hbm>>
      %dma_wait3A_92 = arith.constant 0 : i32
      %dma_wait3A_93 = arith.constant 1024 : i32
      %dma_wait3A_94 = tpu.memref_slice %arg7[%dma_wait3A_92, %dma_wait3A_93] : memref<8x4096xf32, #tpu.memory_space<vmem>> -> memref<8x1024xf32, #tpu.memory_space<vmem>>
      tpu.wait_dma2 semaphore(%run_scoped3A : memref<!tpu.dma_semaphore, #tpu.memory_space<semaphore_mem>>) src(%dma_wait3A_94 : memref<8x1024xf32, #tpu.memory_space<vmem>>) dst(%dma_wait3A_91 : memref<8x1024xf32, #tpu.memory_space<hbm>>)
      tpu.yield
    }) : () -> ()
    %mul3A_49 = arith.constant 4 : i32
    %mul3A_50 = arith.muli %select_n3A_30, %mul3A_49 : i32
    %add3A_51 = arith.constant 2 : i32
    %add3A_52 = arith.addi %mul3A_50, %add3A_51 : i32
    %mul3A_53 = arith.constant 8 : i32
    %mul3A_54 = arith.muli %select_n3A_9, %mul3A_53 : i32
    "tpu.region"() ({
      %run_scoped3A = tpu.sem_alloc : memref<!tpu.dma_semaphore, #tpu.memory_space<semaphore_mem>>
      %dma_start3A = arith.constant 0 : i32
      %dma_start3A_61 = arith.constant 2048 : i32
      %dma_start3A_62 = tpu.memref_slice %arg7[%dma_start3A, %dma_start3A_61] : memref<8x4096xf32, #tpu.memory_space<vmem>> -> memref<8x1024xf32, #tpu.memory_space<vmem>>
      %dma_start3A_63 = arith.constant 0 : i32
      %dma_start3A_64 = arith.constant 0 : i32
      %dma_start3A_65 = tpu.memref_slice %arg4[%add3A_52, %dma_start3A_63, %dma_start3A_64] : memref<16x64x1024xf32, #tpu.memory_space<hbm>> -> memref<1x64x1024xf32, #tpu.memory_space<hbm>>
      %dma_start3A_66 = tpu.memref_squeeze %dma_start3A_65 : memref<1x64x1024xf32, #tpu.memory_space<hbm>> -> memref<64x1024xf32, #tpu.memory_space<hbm>>
      %dma_start3A_67 = arith.constant 0 : i32
      %dma_start3A_68 = tpu.memref_slice %dma_start3A_66[%mul3A_54, %dma_start3A_67] : memref<64x1024xf32, #tpu.memory_space<hbm>> -> memref<8x1024xf32, #tpu.memory_space<hbm>>
      %dma_start3A_69 = arith.constant 0 : i32
      %dma_start3A_70 = arith.constant 0 : i32
      %dma_start3A_71 = tpu.memref_slice %arg4[%add3A_52, %dma_start3A_69, %dma_start3A_70] : memref<16x64x1024xf32, #tpu.memory_space<hbm>> -> memref<1x64x1024xf32, #tpu.memory_space<hbm>>
      %dma_start3A_72 = tpu.memref_squeeze %dma_start3A_71 : memref<1x64x1024xf32, #tpu.memory_space<hbm>> -> memref<64x1024xf32, #tpu.memory_space<hbm>>
      %dma_start3A_73 = arith.constant 0 : i32
      %dma_start3A_74 = tpu.memref_slice %dma_start3A_72[%mul3A_54, %dma_start3A_73] : memref<64x1024xf32, #tpu.memory_space<hbm>> -> memref<8x1024xf32, #tpu.memory_space<hbm>>
      %dma_start3A_75 = arith.constant 0 : i32
      %dma_start3A_76 = arith.constant 2048 : i32
      %dma_start3A_77 = tpu.memref_slice %arg7[%dma_start3A_75, %dma_start3A_76] : memref<8x4096xf32, #tpu.memory_space<vmem>> -> memref<8x1024xf32, #tpu.memory_space<vmem>>
      tpu.enqueue_dma source(%dma_start3A_77 : memref<8x1024xf32, #tpu.memory_space<vmem>>) target(%dma_start3A_74 : memref<8x1024xf32, #tpu.memory_space<hbm>>) target_semaphore(%run_scoped3A : memref<!tpu.dma_semaphore, #tpu.memory_space<semaphore_mem>>)
      %dma_wait3A = arith.constant 0 : i32
      %dma_wait3A_78 = arith.constant 2048 : i32
      %dma_wait3A_79 = tpu.memref_slice %arg7[%dma_wait3A, %dma_wait3A_78] : memref<8x4096xf32, #tpu.memory_space<vmem>> -> memref<8x1024xf32, #tpu.memory_space<vmem>>
      %dma_wait3A_80 = arith.constant 0 : i32
      %dma_wait3A_81 = arith.constant 0 : i32
      %dma_wait3A_82 = tpu.memref_slice %arg4[%add3A_52, %dma_wait3A_80, %dma_wait3A_81] : memref<16x64x1024xf32, #tpu.memory_space<hbm>> -> memref<1x64x1024xf32, #tpu.memory_space<hbm>>
      %dma_wait3A_83 = tpu.memref_squeeze %dma_wait3A_82 : memref<1x64x1024xf32, #tpu.memory_space<hbm>> -> memref<64x1024xf32, #tpu.memory_space<hbm>>
      %dma_wait3A_84 = arith.constant 0 : i32
      %dma_wait3A_85 = tpu.memref_slice %dma_wait3A_83[%mul3A_54, %dma_wait3A_84] : memref<64x1024xf32, #tpu.memory_space<hbm>> -> memref<8x1024xf32, #tpu.memory_space<hbm>>
      %dma_wait3A_86 = arith.constant 0 : i32
      %dma_wait3A_87 = arith.constant 0 : i32
      %dma_wait3A_88 = tpu.memref_slice %arg4[%add3A_52, %dma_wait3A_86, %dma_wait3A_87] : memref<16x64x1024xf32, #tpu.memory_space<hbm>> -> memref<1x64x1024xf32, #tpu.memory_space<hbm>>
      %dma_wait3A_89 = tpu.memref_squeeze %dma_wait3A_88 : memref<1x64x1024xf32, #tpu.memory_space<hbm>> -> memref<64x1024xf32, #tpu.memory_space<hbm>>
      %dma_wait3A_90 = arith.constant 0 : i32
      %dma_wait3A_91 = tpu.memref_slice %dma_wait3A_89[%mul3A_54, %dma_wait3A_90] : memref<64x1024xf32, #tpu.memory_space<hbm>> -> memref<8x1024xf32, #tpu.memory_space<hbm>>
      %dma_wait3A_92 = arith.constant 0 : i32
      %dma_wait3A_93 = arith.constant 2048 : i32
      %dma_wait3A_94 = tpu.memref_slice %arg7[%dma_wait3A_92, %dma_wait3A_93] : memref<8x4096xf32, #tpu.memory_space<vmem>> -> memref<8x1024xf32, #tpu.memory_space<vmem>>
      tpu.wait_dma2 semaphore(%run_scoped3A : memref<!tpu.dma_semaphore, #tpu.memory_space<semaphore_mem>>) src(%dma_wait3A_94 : memref<8x1024xf32, #tpu.memory_space<vmem>>) dst(%dma_wait3A_91 : memref<8x1024xf32, #tpu.memory_space<hbm>>)
      tpu.yield
    }) : () -> ()
    %mul3A_55 = arith.constant 4 : i32
    %mul3A_56 = arith.muli %select_n3A_30, %mul3A_55 : i32
    %add3A_57 = arith.constant 3 : i32
    %add3A_58 = arith.addi %mul3A_56, %add3A_57 : i32
    %mul3A_59 = arith.constant 8 : i32
    %mul3A_60 = arith.muli %select_n3A_9, %mul3A_59 : i32
    "tpu.region"() ({
      %run_scoped3A = tpu.sem_alloc : memref<!tpu.dma_semaphore, #tpu.memory_space<semaphore_mem>>
      %dma_start3A = arith.constant 0 : i32
      %dma_start3A_61 = arith.constant 3072 : i32
      %dma_start3A_62 = tpu.memref_slice %arg7[%dma_start3A, %dma_start3A_61] : memref<8x4096xf32, #tpu.memory_space<vmem>> -> memref<8x1024xf32, #tpu.memory_space<vmem>>
      %dma_start3A_63 = arith.constant 0 : i32
      %dma_start3A_64 = arith.constant 0 : i32
      %dma_start3A_65 = tpu.memref_slice %arg4[%add3A_58, %dma_start3A_63, %dma_start3A_64] : memref<16x64x1024xf32, #tpu.memory_space<hbm>> -> memref<1x64x1024xf32, #tpu.memory_space<hbm>>
      %dma_start3A_66 = tpu.memref_squeeze %dma_start3A_65 : memref<1x64x1024xf32, #tpu.memory_space<hbm>> -> memref<64x1024xf32, #tpu.memory_space<hbm>>
      %dma_start3A_67 = arith.constant 0 : i32
      %dma_start3A_68 = tpu.memref_slice %dma_start3A_66[%mul3A_60, %dma_start3A_67] : memref<64x1024xf32, #tpu.memory_space<hbm>> -> memref<8x1024xf32, #tpu.memory_space<hbm>>
      %dma_start3A_69 = arith.constant 0 : i32
      %dma_start3A_70 = arith.constant 0 : i32
      %dma_start3A_71 = tpu.memref_slice %arg4[%add3A_58, %dma_start3A_69, %dma_start3A_70] : memref<16x64x1024xf32, #tpu.memory_space<hbm>> -> memref<1x64x1024xf32, #tpu.memory_space<hbm>>
      %dma_start3A_72 = tpu.memref_squeeze %dma_start3A_71 : memref<1x64x1024xf32, #tpu.memory_space<hbm>> -> memref<64x1024xf32, #tpu.memory_space<hbm>>
      %dma_start3A_73 = arith.constant 0 : i32
      %dma_start3A_74 = tpu.memref_slice %dma_start3A_72[%mul3A_60, %dma_start3A_73] : memref<64x1024xf32, #tpu.memory_space<hbm>> -> memref<8x1024xf32, #tpu.memory_space<hbm>>
      %dma_start3A_75 = arith.constant 0 : i32
      %dma_start3A_76 = arith.constant 3072 : i32
      %dma_start3A_77 = tpu.memref_slice %arg7[%dma_start3A_75, %dma_start3A_76] : memref<8x4096xf32, #tpu.memory_space<vmem>> -> memref<8x1024xf32, #tpu.memory_space<vmem>>
      tpu.enqueue_dma source(%dma_start3A_77 : memref<8x1024xf32, #tpu.memory_space<vmem>>) target(%dma_start3A_74 : memref<8x1024xf32, #tpu.memory_space<hbm>>) target_semaphore(%run_scoped3A : memref<!tpu.dma_semaphore, #tpu.memory_space<semaphore_mem>>)
      %dma_wait3A = arith.constant 0 : i32
      %dma_wait3A_78 = arith.constant 3072 : i32
      %dma_wait3A_79 = tpu.memref_slice %arg7[%dma_wait3A, %dma_wait3A_78] : memref<8x4096xf32, #tpu.memory_space<vmem>> -> memref<8x1024xf32, #tpu.memory_space<vmem>>
      %dma_wait3A_80 = arith.constant 0 : i32
      %dma_wait3A_81 = arith.constant 0 : i32
      %dma_wait3A_82 = tpu.memref_slice %arg4[%add3A_58, %dma_wait3A_80, %dma_wait3A_81] : memref<16x64x1024xf32, #tpu.memory_space<hbm>> -> memref<1x64x1024xf32, #tpu.memory_space<hbm>>
      %dma_wait3A_83 = tpu.memref_squeeze %dma_wait3A_82 : memref<1x64x1024xf32, #tpu.memory_space<hbm>> -> memref<64x1024xf32, #tpu.memory_space<hbm>>
      %dma_wait3A_84 = arith.constant 0 : i32
      %dma_wait3A_85 = tpu.memref_slice %dma_wait3A_83[%mul3A_60, %dma_wait3A_84] : memref<64x1024xf32, #tpu.memory_space<hbm>> -> memref<8x1024xf32, #tpu.memory_space<hbm>>
      %dma_wait3A_86 = arith.constant 0 : i32
      %dma_wait3A_87 = arith.constant 0 : i32
      %dma_wait3A_88 = tpu.memref_slice %arg4[%add3A_58, %dma_wait3A_86, %dma_wait3A_87] : memref<16x64x1024xf32, #tpu.memory_space<hbm>> -> memref<1x64x1024xf32, #tpu.memory_space<hbm>>
      %dma_wait3A_89 = tpu.memref_squeeze %dma_wait3A_88 : memref<1x64x1024xf32, #tpu.memory_space<hbm>> -> memref<64x1024xf32, #tpu.memory_space<hbm>>
      %dma_wait3A_90 = arith.constant 0 : i32
      %dma_wait3A_91 = tpu.memref_slice %dma_wait3A_89[%mul3A_60, %dma_wait3A_90] : memref<64x1024xf32, #tpu.memory_space<hbm>> -> memref<8x1024xf32, #tpu.memory_space<hbm>>
      %dma_wait3A_92 = arith.constant 0 : i32
      %dma_wait3A_93 = arith.constant 3072 : i32
      %dma_wait3A_94 = tpu.memref_slice %arg7[%dma_wait3A_92, %dma_wait3A_93] : memref<8x4096xf32, #tpu.memory_space<vmem>> -> memref<8x1024xf32, #tpu.memory_space<vmem>>
      tpu.wait_dma2 semaphore(%run_scoped3A : memref<!tpu.dma_semaphore, #tpu.memory_space<semaphore_mem>>) src(%dma_wait3A_94 : memref<8x1024xf32, #tpu.memory_space<vmem>>) dst(%dma_wait3A_91 : memref<8x1024xf32, #tpu.memory_space<hbm>>)
      tpu.yield
    }) : () -> ()
    return
  }
}

module attributes {stable_mosaic.version = 14 : i64} {
  func.func @_assign_body(%arg0: i32, %arg1: memref<1x64x1024xf32, #tpu.memory_space<vmem>>, %arg2: memref<1024x64xf32, #tpu.memory_space<vmem>>, %arg3: memref<1x1x1024xi32, #tpu.memory_space<vmem>>, %arg4: memref<1x1xf32, #tpu.memory_space<smem>>, %arg5: memref<1024x1024xf32, #tpu.memory_space<vmem>>, %arg6: memref<1024x1024xf32, #tpu.memory_space<vmem>>) attributes {dimension_semantics = [#tpu.dimension_semantics<arbitrary>], iteration_bounds = array<i64: 16>, scalar_prefetch = 0 : i64, scratch_operands = 2 : i64, tpu.core_type = #tpu.core_type<tc>, window_params = [{transform_indices = @transform_0, window_bounds = array<i64: 1, 64, 1024>}, {pipeline_mode = #tpu.pipeline_mode<synchronous>, transform_indices = @transform_1, window_bounds = array<i64: 1024, 64>}, {transform_indices = @transform_2, window_bounds = array<i64: 1, 1, 1024>}, {transform_indices = @transform_3, window_bounds = array<i64: 1, 1>}]} {
    %get3A = arith.constant 0 : index
    %get3A_0 = arith.constant 0 : index
    %get3A_1 = vector.load %arg2[%get3A, %get3A_0] : memref<1024x64xf32, #tpu.memory_space<vmem>>, vector<1024x64xf32>
    %eq3A = arith.constant 0 : i32
    %eq3A_2 = arith.cmpi eq, %arg0, %eq3A : i32
    %convert_element_type3A = arith.extui %eq3A_2 : i1 to i32
    %cond3A = arith.constant 0 : i32
    %cond3A_3 = arith.cmpi ne, %convert_element_type3A, %cond3A : i32
    scf.if %cond3A_3 {
      %mul3A_48 = arith.mulf %get3A_1, %get3A_1 : vector<1024x64xf32>
      %reduce_sum3A_49 = arith.constant dense<0.000000e+00> : vector<1024xf32>
      %reduce_sum3A_50 = vector.multi_reduction <add>, %mul3A_48, %reduce_sum3A_49 [1] : vector<1024x64xf32> to vector<1024xf32>
      %broadcast_in_dim3A_51 = vector.shape_cast %reduce_sum3A_50 : vector<1024xf32> to vector<1024x1xf32>
      %broadcast_in_dim3A_52 = vector.shape_cast %broadcast_in_dim3A_51 : vector<1024x1xf32> to vector<1024x1xf32>
      %broadcast_in_dim3A_53 = vector.broadcast %broadcast_in_dim3A_52 : vector<1024x1xf32> to vector<1024x1024xf32>
      %swap3A_54 = arith.constant 0 : index
      %swap3A_55 = arith.constant 0 : index
      %swap3A_56 = vector.load %arg5[%swap3A_54, %swap3A_55] : memref<1024x1024xf32, #tpu.memory_space<vmem>>, vector<1024x1024xf32>
      tpu.vector_store %arg5[%swap3A_54, %swap3A_55], %broadcast_in_dim3A_53 {strides = array<i32>} : memref<1024x1024xf32, #tpu.memory_space<vmem>>, vector<1024x1024xf32>,
      %iota3A = tpu.iota {dimensions = array<i32: 0>} : vector<1024x1024xi32>
      %convert_element_type3A_57 = arith.sitofp %iota3A : vector<1024x1024xi32> to vector<1024x1024xf32>
      %swap3A_58 = arith.constant 0 : index
      %swap3A_59 = arith.constant 0 : index
      %swap3A_60 = vector.load %arg6[%swap3A_58, %swap3A_59] : memref<1024x1024xf32, #tpu.memory_space<vmem>>, vector<1024x1024xf32>
      tpu.vector_store %arg6[%swap3A_58, %swap3A_59], %convert_element_type3A_57 {strides = array<i32>} : memref<1024x1024xf32, #tpu.memory_space<vmem>>, vector<1024x1024xf32>,
    } else {
    }
    %get3A_4 = arith.constant 0 : index
    %get3A_5 = arith.constant 0 : index
    %get3A_6 = arith.constant 0 : index
    %get3A_7 = vector.load %arg1[%get3A_4, %get3A_5, %get3A_6] : memref<1x64x1024xf32, #tpu.memory_space<vmem>>, vector<1x64x1024xf32>
    %get3A_8 = vector.shape_cast %get3A_7 : vector<1x64x1024xf32> to vector<64x1024xf32>
    %mul3A = arith.constant 2.000000e+00 : f32
    %mul3A_9 = vector.broadcast %mul3A : f32 to vector<64x1024xf32>
    %mul3A_10 = arith.mulf %get3A_8, %mul3A_9 : vector<64x1024xf32>
    %dot_general3A = arith.constant dense<0.000000e+00> : vector<1024x1024xf32>
    %dot_general3A_11 = tpu.matmul %get3A_1, %mul3A_10, %dot_general3A {dimension_numbers = #tpu.dot_dimension_numbers<[1], [0], [0], [1], [0, 0, 1, 1], [], []>, transpose_lhs_hint = false} : vector<1024x64xf32>, vector<64x1024xf32>, vector<1024x1024xf32> -> vector<1024x1024xf32>
    %mul3A_12 = arith.mulf %get3A_8, %get3A_8 : vector<64x1024xf32>
    %reduce_sum3A = arith.constant dense<0.000000e+00> : vector<1024xf32>
    %reduce_sum3A_13 = vector.multi_reduction <add>, %mul3A_12, %reduce_sum3A [0] : vector<64x1024xf32> to vector<1024xf32>
    %broadcast_in_dim3A = vector.shape_cast %reduce_sum3A_13 : vector<1024xf32> to vector<1x1024xf32>
    %get3A_14 = arith.constant 0 : index
    %get3A_15 = arith.constant 0 : index
    %get3A_16 = vector.load %arg5[%get3A_14, %get3A_15] : memref<1024x1024xf32, #tpu.memory_space<vmem>>, vector<1024x1024xf32>
    %add3A = vector.broadcast %broadcast_in_dim3A : vector<1x1024xf32> to vector<1024x1024xf32>
    %add3A_17 = arith.addf %add3A, %get3A_16 : vector<1024x1024xf32>
    %sub3A = arith.subf %add3A_17, %dot_general3A_11 : vector<1024x1024xf32>
    %reduce_min3A = arith.constant dense<0x7F800000> : vector<1024xf32>
    %reduce_min3A_18 = vector.multi_reduction <minimumf>, %sub3A, %reduce_min3A [0] : vector<1024x1024xf32> to vector<1024xf32>
    %get3A_19 = arith.constant 0 : index
    %get3A_20 = arith.constant 0 : index
    %get3A_21 = vector.load %arg6[%get3A_19, %get3A_20] : memref<1024x1024xf32, #tpu.memory_space<vmem>>, vector<1024x1024xf32>
    %broadcast_in_dim3A_22 = vector.shape_cast %reduce_min3A_18 : vector<1024xf32> to vector<1x1024xf32>
    %eq3A_23 = vector.broadcast %broadcast_in_dim3A_22 : vector<1x1024xf32> to vector<1024x1024xf32>
    %eq3A_24 = arith.cmpf oeq, %sub3A, %eq3A_23 : vector<1024x1024xf32>
    %jit3A = arith.constant 1.024000e+03 : f32
    %broadcast_in_dim3A_25 = vector.broadcast %jit3A : f32 to vector<1024x1024xf32>
    %select_n3A = arith.select %eq3A_24, %get3A_21, %broadcast_in_dim3A_25 : vector<1024x1024xi1>, vector<1024x1024xf32>
    %reduce_min3A_26 = arith.constant dense<0x7F800000> : vector<1024xf32>
    %reduce_min3A_27 = vector.multi_reduction <minimumf>, %select_n3A, %reduce_min3A_26 [0] : vector<1024x1024xf32> to vector<1024xf32>
    %convert_element_type3A_28 = arith.fptosi %reduce_min3A_27 : vector<1024xf32> to vector<1024xi32>
    %swap3A = arith.constant 0 : index
    %swap3A_29 = arith.constant 0 : index
    %swap3A_30 = arith.constant 0 : index
    %swap3A_31 = vector.load %arg3[%swap3A, %swap3A_29, %swap3A_30] : memref<1x1x1024xi32, #tpu.memory_space<vmem>>, vector<1x1x1024xi32>
    %swap3A_32 = vector.shape_cast %swap3A_31 : vector<1x1x1024xi32> to vector<1024xi32>
    %swap3A_33 = vector.shape_cast %convert_element_type3A_28 : vector<1024xi32> to vector<1x1x1024xi32>
    tpu.vector_store %arg3[%swap3A, %swap3A_29, %swap3A_30], %swap3A_33 {strides = array<i32>} : memref<1x1x1024xi32, #tpu.memory_space<vmem>>, vector<1x1x1024xi32>,
    %reduce_sum3A_34 = vector.shape_cast %reduce_min3A_18 : vector<1024xf32> to vector<1x1024xf32>
    %reduce_sum3A_35 = arith.constant dense<0.000000e+00> : vector<1xf32>
    %reduce_sum3A_36 = vector.multi_reduction <add>, %reduce_sum3A_34, %reduce_sum3A_35 [1] : vector<1x1024xf32> to vector<1xf32>
    %reduce_sum3A_37 = vector.shape_cast %reduce_sum3A_36 : vector<1xf32> to vector<1x1xf32>
    %reduce_sum3A_38 = vector.extract %reduce_sum3A_37[0, 0] : f32 from vector<1x1xf32>
    %eq3A_39 = arith.constant 0 : i32
    %eq3A_40 = arith.cmpi eq, %arg0, %eq3A_39 : i32
    %convert_element_type3A_41 = arith.extui %eq3A_40 : i1 to i32
    %cond3A_42 = arith.constant 0 : i32
    %cond3A_43 = arith.cmpi ne, %convert_element_type3A_41, %cond3A_42 : i32
    scf.if %cond3A_43 {
      %swap3A_48 = arith.constant 0 : index
      %swap3A_49 = arith.constant 0 : index
      %swap3A_50 = memref.load %arg4[%swap3A_48, %swap3A_49] : memref<1x1xf32, #tpu.memory_space<smem>>
      memref.store %reduce_sum3A_38, %arg4[%swap3A_48, %swap3A_49] : memref<1x1xf32, #tpu.memory_space<smem>>
    } else {
    }
    %ne3A = arith.constant 0 : i32
    %ne3A_44 = arith.cmpi ne, %arg0, %ne3A : i32
    %convert_element_type3A_45 = arith.extui %ne3A_44 : i1 to i32
    %cond3A_46 = arith.constant 0 : i32
    %cond3A_47 = arith.cmpi ne, %convert_element_type3A_45, %cond3A_46 : i32
    scf.if %cond3A_47 {
      %get3A_48 = arith.constant 0 : index
      %get3A_49 = arith.constant 0 : index
      %get3A_50 = memref.load %arg4[%get3A_48, %get3A_49] : memref<1x1xf32, #tpu.memory_space<smem>>
      %add3A_51 = arith.addf %get3A_50, %reduce_sum3A_38 : f32
      %swap3A_52 = arith.constant 0 : index
      %swap3A_53 = arith.constant 0 : index
      %swap3A_54 = memref.load %arg4[%swap3A_52, %swap3A_53] : memref<1x1xf32, #tpu.memory_space<smem>>
      memref.store %add3A_51, %arg4[%swap3A_52, %swap3A_53] : memref<1x1xf32, #tpu.memory_space<smem>>
    } else {
    }
    return
  }
  func.func @transform_0(%arg0: i32) -> (i32, i32, i32) {
    %c0_i32 = arith.constant 0 : i32
    %c0_i32_0 = arith.constant 0 : i32
    %c0_i32_1 = arith.constant 0 : i32
    return %arg0, %c0_i32, %c0_i32_0 : i32, i32, i32
  }
  func.func @transform_1(%arg0: i32) -> (i32, i32) {
    %c0_i32 = arith.constant 0 : i32
    %c0_i32_0 = arith.constant 0 : i32
    %c0_i32_1 = arith.constant 0 : i32
    return %c0_i32, %c0_i32_0 : i32, i32
  }
  func.func @transform_2(%arg0: i32) -> (i32, i32, i32) {
    %c0_i32 = arith.constant 0 : i32
    %c0_i32_0 = arith.constant 0 : i32
    %c0_i32_1 = arith.constant 0 : i32
    return %arg0, %c0_i32, %c0_i32_0 : i32, i32, i32
  }
  func.func @transform_3(%arg0: i32) -> (i32, i32) {
    %c0_i32 = arith.constant 0 : i32
    %c0_i32_0 = arith.constant 0 : i32
    %c0_i32_1 = arith.constant 0 : i32
    return %c0_i32, %c0_i32_0 : i32, i32
  }
}

</mosaic_0001>

<sc_bundles>
// kernel: kernel.4.cloned.1.call-start
scs
__scs_entry_jumppad:
0x0: {  	(pc) =	sbr.rel $0x88, $3  }
0x1: {  	(tag) =	ssettag $0x0;
	lr =	simm.s32 $0x1  }
0x2: {  	[smem:$0x3F9F] =	sst lr;
	_ =	strace $0xD0000000  }
0x3: {  	_ = 	snop  }
0x4: {  	_ = 	snop  }
0x5: {  	_ = 	snop  }
0x6: {  	_ = 	snop  }
0x7: {  	_ = 	snop  }
__scs_overlays_trampoline_lowered:
0x8: {  	[smem:$0x3FAE] =	sst s0  }
0x9: {  	[smem:$0x3FAF] =	sst s1  }
0xa: {  	[smem:$0x3FB0] =	sst s2  }
0xb: {  	[smem:$0x3FB1] =	sst s3  }
0xc: {  	[smem:$0x3FB2] =	sst s4  }
0xd: {  	[smem:$0x3FB3] =	sst s5  }
0xe: {  	[smem:$0x3FB4] =	sst s6  }
0xf: {  	[smem:$0x3FB5] =	sst s7  }
0x10: {  	[smem:$0x3FB6] =	sst s8  }
0x11: {  	[smem:$0x3FB7] =	sst s9;
	s0 =	simm.s32 @!p0 $0x0  }
0x12: {  	s1 =	sld [smem:$0x3F9D];
	s0 =	simm.s32 @p0 $0x1  }
0x13: {  	[smem:$0x3FB8] =	sst s0;
	s0 =	simm.s32 @!p1 $0x0  }
0x14: {  	s2 =	sld [smem:$0x3F9C];
	s0 =	simm.s32 @p1 $0x1  }
0x15: {  	[smem:$0x3FB9] =	sst s0;
	s0 =	simm.s32 @!p2 $0x0  }
0x16: {  	s3 =	sld [smem:$0x3FDB];
	s0 =	simm.s32 @p2 $0x1  }
0x17: {  	s4 =	simm.s32 $0x1BF5;
	[smem:$0x3FBB] =	sst s0  }
0x18: {  	s0 =	sld [smem:$0x3F9E];
	_ =	swait.ge [sflag:s4], $0x0  }
0x19: {  	s7 =	sld [smem:$0x3F9F]  }
0x1a: {  	s8 =	sadd.s32 $0xFFFFE003, lr  }
0x1b: {  	s9 =	sadd.s32 $0xFFFFFEF7, lr;
	s5 =	simm.s32 $0xFFFFFFFF;
	p2 =	slt.u32 s8, $0xFFFFF086  }
0x1c: {  	p1 =	slt.u32 s9, $0xF7A;
	s5 =	simm.s32 @!p2 $0x0  }
0x1d: {  	s5 =	simm.s32 @p1 $0x1;
	p0 =	seq.s32 s7, s2  }
0x1e: {  	s7 =	smul.u32 @!p0 $0xF7A, s2;
	p2 =	seq.s32 @!p0 s5, $0x0  }
0x1f: {  	s9 =	smul.u32 $0xF7A, s1;
	s8 =	simm.s32 @!p0 $0x1BF5;
	p2 =	por !p2, p0  }
0x20: {  	[sflag:s8] =	ssyncset.s32 @!p0 $0xFFFFF086;
	s6 =	sadd.s32 @!p0 s3, s7;
	s7 =	simm.s32 @!p0 $0x108  }
0x21: {  	s3 =	sadd.s32 s3, s9;
	s6 =	sadd.s32 @!p0 $0x88, s6;
	s7 =	simm.s32 @p2 $0x1082  }
0x22: {  	[simem:s7], [sflag:s8] =	dma.local @!p0 [hbm:s6], $0xF7A  }
0x23: {  	s9 =	sor.u32 $0xD0000000, s2;
	s6 =	simm.s32 $0x108;
	_ =	swait.ge @!p0 [sflag:s8], $0x0  }
0x24: {  	s3 =	sadd.s32 $0x88, s3;
	s6 =	simm.s32 @!p1 $0x1082;
	[sflag:s4] =	ssyncset.s32 $0xFFFFF086  }
0x25: {  	[simem:s6], [sflag:s4] =	dma.local [hbm:s3], $0xF7A  }
0x26: {  	[smem:$0x3F9F] =	sst s1;
	(tag) =	ssettag s2;
	_ =	strace s9  }
0x27: {  	s1 =	sld [smem:$0x3FAF]  }
0x28: {  	s2 =	sld [smem:$0x3FB0]  }
0x29: {  	s4 =	sld [smem:$0x3FB2]  }
0x2a: {  	p0 =	seq.s32 s5, $0x0;
	s5 =	sld [smem:$0x3FB3]  }
0x2b: {  	s6 =	sld [smem:$0x3FB4]  }
0x2c: {  	s7 =	sld [smem:$0x3FB5]  }
0x2d: {  	s3 =	simm.s32 $0x108;
	s8 =	sld [smem:$0x3FB6]  }
0x2e: {  	s3 =	simm.s32 @!p0 $0x1082;
	s9 =	sld [smem:$0x3FB7]  }
0x2f: {  	lr =	sadd.s32 s0, s3;
	s0 =	sld [smem:$0x3FAE]  }
0x30: {  	s3 =	sld [smem:$0x3FB1]  }
0x31: {  	[smem:$0x3FBA] =	sst s10  }
0x32: {  	s10 =	sld [smem:$0x3FB8];
	_ =	sdelay $0x3  }
0x33: {  	p0 =	seq.s32 s10, $0x1;
	s10 =	sld [smem:$0x3FBA];
	_ =	sdelay $0x3  }
0x34: {  	[smem:$0x3FBA] =	sst s10  }
0x35: {  	s10 =	sld [smem:$0x3FB9];
	_ =	sdelay $0x3  }
0x36: {  	p1 =	seq.s32 s10, $0x1;
	s10 =	sld [smem:$0x3FBA];
	_ =	sdelay $0x3  }
0x37: {  	[smem:$0x3FBA] =	sst s10  }
0x38: {  	s10 =	sld [smem:$0x3FBB]  }
0x39: {  	_ = 	snop;
	(pc) =	sbr.ind lr, $3  }
0x3a: {  	_ = 	snop  }
0x3b: {  	_ = 	snop  }
0x3c: {  	p2 =	seq.s32 s10, $0x1;
	s10 =	sld [smem:$0x3FBA]  }
0x3d: {  	_ =	shalt  }
0x3e: {  	_ =	shalt  }
0x3f: {  	_ =	shalt  }
0x40: {  	_ =	shalt  }
0x41: {  	_ =	shalt  }
0x42: {  	_ =	shalt  }
0x43: {  	_ =	shalt  }
0x44: {  	_ =	shalt  }
0x45: {  	_ =	shalt  }
0x46: {  	_ =	shalt  }
0x47: {  	_ =	shalt  }
0x48: {  	_ =	shalt  }
0x49: {  	_ =	shalt  }
0x4a: {  	_ =	shalt  }
0x4b: {  	_ =	shalt  }
0x4c: {  	_ =	shalt  }
0x4d: {  	_ =	shalt  }
0x4e: {  	_ =	shalt  }
0x4f: {  	_ =	shalt  }
0x50: {  	_ =	shalt  }
0x51: {  	_ =	shalt  }
0x52: {  	_ =	shalt  }
0x53: {  	_ =	shalt  }
0x54: {  	_ =	shalt  }
0x55: {  	_ =	shalt  }
0x56: {  	_ =	shalt  }
0x57: {  	_ =	shalt  }
0x58: {  	_ =	shalt  }
0x59: {  	_ =	shalt  }
0x5a: {  	_ =	shalt  }
0x5b: {  	_ =	shalt  }
0x5c: {  	_ =	shalt  }
0x5d: {  	_ =	shalt  }
0x5e: {  	_ =	shalt  }
0x5f: {  	_ =	shalt  }
0x60: {  	_ =	shalt  }
0x61: {  	_ =	shalt  }
0x62: {  	_ =	shalt  }
0x63: {  	_ =	shalt  }
0x64: {  	_ =	shalt  }
0x65: {  	_ =	shalt  }
0x66: {  	_ =	shalt  }
0x67: {  	_ =	shalt  }
0x68: {  	_ =	shalt  }
0x69: {  	_ =	shalt  }
0x6a: {  	_ =	shalt  }
0x6b: {  	_ =	shalt  }
0x6c: {  	_ =	shalt  }
0x6d: {  	_ =	shalt  }
0x6e: {  	_ =	shalt  }
0x6f: {  	_ =	shalt  }
0x70: {  	_ =	shalt  }
0x71: {  	_ =	shalt  }
0x72: {  	_ =	shalt  }
0x73: {  	_ =	shalt  }
0x74: {  	_ =	shalt  }
0x75: {  	_ =	shalt  }
0x76: {  	_ =	shalt  }
0x77: {  	_ =	shalt  }
0x78: {  	_ =	shalt  }
0x79: {  	_ =	shalt  }
0x7a: {  	_ =	shalt  }
0x7b: {  	_ =	shalt  }
0x7c: {  	_ =	shalt  }
0x7d: {  	_ =	shalt  }
0x7e: {  	_ =	shalt  }
0x7f: {  	_ =	shalt  }
0x80: {  	_ =	shalt  }
0x81: {  	_ =	shalt  }
0x82: {  	_ =	shalt  }
0x83: {  	_ =	shalt  }
0x84: {  	_ =	shalt  }
0x85: {  	_ =	shalt  }
0x86: {  	_ =	shalt  }
0x87: {  	_ =	shalt  }
.Lfunc_end0:
.L_simem_size_0:
called_computation_lowered:
.L_overlay_start_0:
0x88: {  	s2 =	sld [smem:$0x3FD9]  }
0x89: {  	s3 =	sld [smem:$0x3FFE];
	_ =	sdelay $0x1  }
0x8a: {  	s1 =	srdreg.scid  }
0x8b: {  	s0 =	sand.u32 $0x1, s1  }
0x8c: {  	s14 =	sshll.u32 s0, $0xA;
	s2 =	sadd.s32 s3, s2  }
0x8d: {  	s2 =	sadd.s32 s2, s14  }
0x8e: {  	[smem:$0x3FC6] =	sst s2  }
0x8f: {  	_ = 	snop  }
0x90: {  	s2 =	sld [smem:$0x3FD0];
	_ =	sdelay $0x2  }
0x91: {  	s4 =	simm.s32 $0xA;
	s5 =	simm.s32 $0x10;
	s15 =	sld [smem:$0x3FC8]  }
0x92: {  	[smem:s5], [sflag:s4] =	dma.local [hbm:s2], $0x1  }
0x93: {  	_ =	swait.eq [sflag:s4], $0x1  }
0x94: {  	[sflag:s4] =	ssyncset.done $0x0  }
0x95: {  	[sflag:s4] =	ssyncadd.s32 $0xFFFFFFFF  }
0x96: {  	s16 =	sld [smem:$0x10];
	(tm) =	ssettm $0x1  }
0x97: {  	s17 =	sld [smem:$0x3FFB];
	_ =	sdelay $0x3  }
0x98: {  	_ =	strace s17  }
0x99: {  	s4 =	sld [smem:$0x3FFC];
	_ =	sdelay $0x3  }
0x9a: {  	_ =	strace s4  }
0x9b: {  	s4 =	sld [smem:$0x3FFD];
	_ =	sdelay $0x3  }
0x9c: {  	_ =	strace s4  }
0x9d: {  	_ =	strace $0x8FFFFFFF  }
0x9e: {  	s18 =	sld [smem:$0x3FDB];
	_ =	sdelay $0x1  }
0x9f: {  	s19 =	simm.s32 $_scs_section_size  }
0xa0: {  	s6 =	simm.s32 $_size__tile_overlayer_lowered;
	s7 =	simm.s32 $_tile_overlayer_lowered  }
0xa1: {  	s22 =	simm.s32 $0x1BFF;
	s21 =	sshll.u32 s7, $0x1;
	s4 =	sadd.s32 s19, s18  }
0xa2: {  	s8 =	simm.s32 $0x0;
	s20 =	sshll.u32 s6, $0x1;
	s6 =	sadd.s32 s21, s4  }
0xa3: {  	[timem:s8], [sflag:s22] =	dma.local [hbm:s6], s20  }
0xa4: {  	_ =	swait.ge [sflag:s22], s20  }
0xa5: {  	s5 =	ssub.s32 $0x0, s20;
	[sflag:s22] =	ssyncset.done $0x0  }
0xa6: {  	[sflag:s22] =	ssyncadd.s32 s5;
	_ =	sdelay $0x1  }
0xa7: {  	s23 =	simm.s32 $0x1B8B  }
0xa8: {  	_ =	swait.ge [sflag:s23], $0x1  }
0xa9: {  	[sflag:s23] =	ssyncset.done $0x0  }
0xaa: {  	s25 =	simm.s32 $0x1B8E;
	s24 =	sld [smem:$0x3FFE];
	[sflag:s23] =	ssyncadd.s32 $0xFFFFFFFF  }
0xab: {  	s26 =	simm.s32 $execute0_lowered;
	[smem:$0x3FD2] =	sst s25  }
0xac: {  	s6 =	sshll.u32 s26, $0x1;
	_ =	strace $0x80000046;
	[dreg:$0x1] =	wrdreg $0xFFFFFFFF  }
0xad: {  	s28 =	simm.s32 $_size_execute0_lowered;
	s4 =	sadd.s32 s4, s6;
	[dreg:$0x0] =	wrdreg $0x0  }
0xae: {  	s6 =	sshll.u32 s28, $0x1;
	[dreg:$0x2] =	wrdreg s4  }
0xaf: {  	[dreg:$0x3] =	wrdreg s6  }
0xb0: {  	[dreg:$0x4] =	wrdreg $0xC0  }
0xb1: {  	_ =	task [dreg:s8], $0x5FFFF  }
0xb2: {  	[dreg:$0x1] =	wrdreg $0xFFFFFFFF  }
0xb3: {  	[dreg:$0x0] =	wrdreg $0x60  }
0xb4: {  	[dreg:$0x2] =	wrdreg s15  }
0xb5: {  	[dreg:$0x3] =	wrdreg s24  }
0xb6: {  	[dreg:$0x4] =	wrdreg s16  }
0xb7: {  	[dreg:$0x5] =	wrdreg $0x9  }
0xb8: {  	_ =	task.clear_ibuf [dreg:s8], $0x6FFFF;
	_ =	strace $0x90000046  }
0xb9: {  	s29 =	simm.s32 $0x9;
	_ =	strace $0x80000048  }
0xba: {  	_ =	swait.ge [sflag:s29], $0x1  }
0xbb: {  	[sflag:s29] =	ssyncadd.s32 $0xFFFFFFFF  }
0xbc: {  	_ =	strace $0x90000048  }
0xbd: {  	_ =	sfence  }
0xbe: {  	s30 =	sld [smem:$0x0];
	_ =	sdelay $0x2  }
0xbf: {  	s31 =	sshll.u32 s1, $0xD;
	s1 =	sshrl.u32 s1, $0x2  }
0xc0: {  	s3 =	sand.u32 $0x4000, s31;
	s1 =	sadd.s32 s1, s30  }
0xc1: {  	s0 =	sor.u32 s3, s0;
	s1 =	sshll.u32 s1, $0x11  }
0xc2: {  	s0 =	sor.u32 s1, s0  }
0xc3: {  	s0 =	sadd.s32 $0x8F2B, s0  }
0xc4: {  	[sflag:s0] =	ssyncadd.remote.s32 $0x1  }
0xc5: {  	_ =	sfence.sel $0xFFFF  }
0xc6: {  	[dreg:$0x0] =	wrdreg $0xFFFFFFFF;
	(pc) =	sbr.abs _section_cstart, $3  }
0xc7: {  	[dreg:$0x1] =	wrdreg $0xFFFFFFFF  }
0xc8: {  	_ =	task.clear_ibuf [dreg:s8], $0x2FFFF;
	_ =	strace $0x9FFFFFFF  }
0xc9: {  	(tm) =	ssettm $0x7FFFFFFF  }
tec
execute0_lowered:
.L_overlay_start_1:
0x0: {  	(tag) =	ssettag $0x1  }
0x1: {  	s0 =	rddreg [dreg:$0x0]  }
0x2: {  	s1 =	rddreg [dreg:$0x1]  }
0x3: {  	s4 =	rddreg [dreg:$0x2];
	s2 =	simm.s32 $0x0;
	s7 =	stileid.u32  }
0x4: {  	s5 =	srdreg.scid;
	s16 =	simm.s32 $0x0;
	[smem:$0x7FF] =	sst s2  }
0x5: {  	s3 =	sshrl.u32 s7, $0x2;
	s5 =	sand.u32 $0x1, s5;
	s7 =	sshll.u32 s7, $0x1  }
0x6: {  	_ =	strace $0x80000047;
	s6 =	sshll.u32 s3, $0x9;
	s25 =	ssub.s32 $0x2, s5  }
0x7: {  	s7 =	sand.u32 $0x6, s7;
	s26 =	sshll.u32 s3, $0xF;
	s1 =	sadd.s32 s6, s1  }
0x8: {  	s8 =	sshrl.u32 s25, $0x1;
	s5 =	sor.u32 s5, s7;
	s4 =	sadd.s32 s4, s26  }
0x9: {  	s6 =	ssub.s32 s25, s8;
	s3 =	sshll.u32 s5, $0xA;
	s28 =	sadd.s32 $0xA00, s1  }
0xa: {  	s29 =	sadd.s32 $0x2000, s4;
	s30 =	sadd.s32 $0x4000, s4;
	s31 =	sadd.s32 $0x6000, s4  }
0xb: {  	s8 =	simm.s32 $0x1;
	s0 =	sadd.s32 s0, s3;
	[dreg:$0x5] =	wrdreg s28  }
0xc: {  	s6 =	smax.u32 s6, $0x1;
	s10 =	sadd.s32 s3, s29;
	[dreg:$0x4] =	wrdreg s0  }
0xd: {  	s12 =	sadd.s32 s3, s30;
	s14 =	sadd.s32 s3, s31;
	[dreg:$0x6] =	wrdreg s6  }
.LBB2_1:
0xe: {  	s0 =	rddreg [dreg:$0x4]  }
0xf: {  	[tilespmem:s2], [sflag:$0x1] =	stream.linear.gather [hbm4b:s0+s2], $0x2000, $0x38;
	[tilespmem:$0xB000] =	vst v63  }
0x10: {  	_ =	swait.ge [sflag:s8], $0x2000  }
0x11: {  	[sflag:s8] =	ssyncset.done $0x0  }
0x12: {  	s22 =	simm.s32 $0x2000;
	s1 =	rddreg [dreg:$0x5];
	[sflag:s8] =	ssyncadd.s32 $0xFFFFE000  }
0x13: {  	[tilespmem:s22], [sflag:$0x1] =	stream.linear.gather [hbm4b:s1+s2], $0x1000, $0x38;
	[tilespmem:$0xB000] =	vst v63  }
0x14: {  	s23 =	sand.u32 $0x40, s2;
	s5 =	sand.u32 $0xF80, s2;
	_ =	swait.ge [sflag:s8], $0x1000  }
0x15: {  	s5 =	sor.u32 $0x2000, s5;
	s6 =	sor.u32 $0x30, s23;
	[sflag:s8] =	ssyncset.done $0x0  }
0x16: {  	s9 =	sor.u32 s6, s5;
	[sflag:s8] =	ssyncadd.s32 $0xFFFFF000  }
0x17: {  	v0 =	vld [tilespmem:s9+$0x0]  }
0x18: {  	s24 =	sor.u32 $0x10, s23;
	v1 =	vld [tilespmem:s22+$0x0]  }
0x19: {  	s11 =	sor.u32 $0x20, s23;
	s25 =	sor.u32 s24, s5  }
0x1a: {  	s5 =	sor.u32 s11, s5;
	v2 =	vld [tilespmem:s25+$0x0]  }
0x1b: {  	v3 =	vld [tilespmem:s5+$0x0]  }
0x1c: {  	v4 =	vshll.u32 v0, $0x3  }
0x1d: {  	v5 =	vshll.u32 v1, $0x3;
	v0 =	vand.u32 $0x7F, v0;
	v4 =	vand.u32 $0xFFFFFC00, v4  }
0x1e: {  	v1 =	vand.u32 $0x7F, v1;
	v6 =	vand.u32 $0xFFFFFC00, v5;
	v5 =	vor.u32 v0, v4  }
0x1f: {  	v0 =	vor.u32 v1, v6;
	v1 =	vshll.u32 v2, $0x3  }
0x20: {  	v4 =	vshll.u32 v3, $0x3;
	v2 =	vand.u32 $0x7F, v2;
	v1 =	vand.u32 $0xFFFFFC00, v1  }
0x21: {  	v6 =	vand.u32 $0xFFFFFC00, v4;
	v4 =	vor.u32 v2, v1;
	v1 =	vand.u32 $0x7F, v3  }
0x22: {  	v3 =	vor.u32 v1, v6  }
0x23: {  	v1 =	vld.idx.msk [tilespmem:v5+s2+$0x0], $0xffff  }
0x24: {  	v6 =	vor.u32 $0x80, v5;
	v2 =	vld.idx.msk [tilespmem:v0+s2+$0x0], $0xffff  }
0x25: {  	s26 =	sand.u32 $0x7C00, s2;
	v7 =	vor.u32 $0x80, v0  }
0x26: {  	s31 =	sadd.s32 $0x3000, s26;
	v8 =	vld.idx.msk [tilespmem:v4+s2+$0x0], $0xffff  }
0x27: {  	s6 =	sor.u32 s6, s31;
	v9 =	vor.u32 $0x80, v4;
	v10 =	vld.idx.msk [tilespmem:v3+s2+$0x0], $0xffff  }
0x28: {  	s0 =	sor.u32 s23, s31;
	v11 =	vor.u32 $0x80, v3;
	[tilespmem:s6+$0x0] =	vst v1  }
0x29: {  	[tilespmem:s0+$0x0] =	vst v2;
	v1 =	vld.idx.msk [tilespmem:v6+s2+$0x0], $0xffff  }
0x2a: {  	s7 =	sor.u32 s24, s31;
	v2 =	vld.idx.msk [tilespmem:v7+s2+$0x0], $0xffff;
	v6 =	vor.u32 $0x100, v5  }
0x2b: {  	s15 =	sor.u32 s11, s31;
	v7 =	vor.u32 $0x100, v0;
	[tilespmem:s7+$0x0] =	vst v8  }
0x2c: {  	v8 =	vld.idx.msk [tilespmem:v9+s2+$0x0], $0xffff;
	[tilespmem:s15+$0x0] =	vst v10  }
0x2d: {  	v9 =	vor.u32 $0x100, v4;
	v10 =	vld.idx.msk [tilespmem:v11+s2+$0x0], $0xffff  }
0x2e: {  	v11 =	vor.u32 $0x100, v3;
	[tilespmem:s6+$0x80] =	vst v1  }
0x2f: {  	[tilespmem:s0+$0x80] =	vst v2;
	v1 =	vld.idx.msk [tilespmem:v6+s2+$0x0], $0xffff  }
0x30: {  	v2 =	vld.idx.msk [tilespmem:v7+s2+$0x0], $0xffff;
	v6 =	vor.u32 $0x180, v5  }
0x31: {  	v7 =	vor.u32 $0x180, v0;
	[tilespmem:s7+$0x80] =	vst v8  }
0x32: {  	v8 =	vld.idx.msk [tilespmem:v9+s2+$0x0], $0xffff;
	[tilespmem:s15+$0x80] =	vst v10  }
0x33: {  	s19 =	simm.s32 $0x2040;
	s17 =	simm.s32 $0x40;
	v9 =	vor.u32 $0x180, v4;
	v10 =	vld.idx.msk [tilespmem:v11+s2+$0x0], $0xffff  }
0x34: {  	s20 =	sand.u32 $0xF80, s17;
	s9 =	sand.u32 $0x40, s17;
	v11 =	vld [tilespmem:s19+$0x0];
	[tilespmem:s6+$0x100] =	vst v1  }
0x35: {  	s5 =	sor.u32 $0x2000, s20;
	s19 =	sor.u32 $0x30, s9;
	[tilespmem:s0+$0x100] =	vst v2;
	v1 =	vld.idx.msk [tilespmem:v6+s2+$0x0], $0xffff  }
0x36: {  	s13 =	sor.u32 s19, s5;
	v2 =	vor.u32 $0x180, v3;
	v6 =	vld.idx.msk [tilespmem:v7+s2+$0x0], $0xffff  }
0x37: {  	s11 =	sor.u32 $0x10, s9;
	v7 =	vor.u32 $0x200, v5;
	[tilespmem:s7+$0x100] =	vst v8;
	v8 =	vld [tilespmem:s13+$0x0]  }
0x38: {  	s21 =	sor.u32 $0x20, s9;
	s18 =	sor.u32 s11, s5;
	v9 =	vld.idx.msk [tilespmem:v9+s2+$0x0], $0xffff  }
0x39: {  	v13 =	vld [tilespmem:s18+$0x0];
	v12 =	vor.u32 $0x200, v4;
	s5 =	sor.u32 s21, s5;
	v14 =	vshll.u32 v11, $0x3  }
0x3a: {  	v15 =	vld [tilespmem:s5+$0x0];
	[tilespmem:s15+$0x100] =	vst v10;
	v10 =	vor.u32 $0x200, v0;
	v11 =	vand.u32 $0x7F, v11;
	v14 =	vand.u32 $0xFFFFFC00, v14  }
0x3b: {  	p0 =	por $0x0, $0x0;
	s5 =	simm.s32 $0x1;
	v16 =	vld.idx.msk [tilespmem:v2+s2+$0x0], $0xffff;
	[tilespmem:s6+$0x180] =	vst v1;
	v1 =	vor.u32 v11, v14  }
0x3c: {  	s5 =	simm.s32 @!p0 $0x0;
	v11 =	vor.u32 $0x200, v3;
	v7 =	vld.idx.msk [tilespmem:v7+s2+$0x0], $0xffff;
	v2 =	vshll.u32 v8, $0x3  }
0x3d: {  	s22 =	sshll.u32 s5, $0x6;
	v8 =	vand.u32 $0x7F, v8;
	[tilespmem:s7+$0x180] =	vst v9;
	v2 =	vand.u32 $0xFFFFFC00, v2;
	v9 =	vor.u32 $0x280, v5  }
0x3e: {  	v14 =	vor.u32 $0x280, v4;
	[tilespmem:s0+$0x180] =	vst v6;
	s0 =	sadd.s32 $0x0, s22;
	v6 =	vld.idx.msk [tilespmem:v12+s2+$0x0], $0xffff;
	v12 =	vshll.u32 v13, $0x3;
	v2 =	vor.u32 v8, v2  }
0x3f: {  	s1 =	sadd.s32 $0x30, s0;
	v8 =	vld.idx.msk [tilespmem:v10+s2+$0x0], $0xffff;
	v10 =	vshll.u32 v15, $0x3;
	v13 =	vand.u32 $0x7F, v13;
	v12 =	vand.u32 $0xFFFFFC00, v12  }
0x40: {  	s23 =	sor.u32 $0x200, s1;
	v10 =	vand.u32 $0xFFFFFC00, v10;
	[tilespmem:s15+$0x180] =	vst v16;
	v17 =	vld.idx.msk [tilespmem:v1+s2+$0x0], $0xffff;
	v21 =	vor.u32 v13, v12;
	v12 =	vand.u32 $0x7F, v15  }
0x41: {  	s15 =	sadd.s32 $0x10, s0;
	v11 =	vld.idx.msk [tilespmem:v11+s2+$0x0], $0xffff;
	v10 =	vor.u32 v12, v10;
	[tilespmem:s23+$0x3000] =	vst v7  }
0x42: {  	s24 =	sor.u32 $0x200, s15;
	v7 =	vor.u32 $0x280, v0;
	v9 =	vld.idx.msk [tilespmem:v9+s2+$0x0], $0xffff  }
0x43: {  	s18 =	simm.s32 $0x200;
	s25 =	sor.u32 $0x200, s0;
	v12 =	vor.u32 $0x280, v3;
	v13 =	vld.idx.msk [tilespmem:v2+s2+$0x0], $0xffff;
	[tilespmem:s24+$0x3000] =	vst v6  }
0x44: {  	s31 =	sand.u32 $0x7C00, s18;
	s20 =	sadd.s32 $0x20, s0;
	[tilespmem:s25+$0x3000] =	vst v8;
	v8 =	vor.u32 $0x80, v1;
	v6 =	vld.idx.msk [tilespmem:v14+s2+$0x0], $0xffff  }
0x45: {  	s5 =	sadd.s32 $0x3000, s31;
	s26 =	sor.u32 $0x200, s20;
	v14 =	vor.u32 $0x300, v5;
	v15 =	vld.idx.msk [tilespmem:v21+s2+$0x0], $0xffff  }
0x46: {  	v16 =	vor.u32 $0x80, v2;
	[tilespmem:s26+$0x3000] =	vst v11;
	s26 =	sor.u32 s9, s5;
	v18 =	vld.idx.msk [tilespmem:v10+s2+$0x0], $0xffff  }
0x47: {  	s7 =	sor.u32 $0x280, s1;
	v19 =	vor.u32 $0x80, v21;
	v22 =	vld.idx.msk [tilespmem:v7+s2+$0x0], $0xffff;
	[tilespmem:s26+$0x0] =	vst v17  }
0x48: {  	s30 =	sor.u32 s19, s5;
	v7 =	vor.u32 $0x80, v10;
	v11 =	vld.idx.msk [tilespmem:v12+s2+$0x0], $0xffff;
	[tilespmem:s7+$0x3000] =	vst v9  }
0x49: {  	s22 =	sor.u32 s21, s5;
	s21 =	sor.u32 $0x280, s15;
	v9 =	vor.u32 $0x300, v4;
	[tilespmem:s30+$0x0] =	vst v13;
	v8 =	vld.idx.msk [tilespmem:v8+s2+$0x0], $0xffff  }
0x4a: {  	s29 =	sor.u32 s11, s5;
	v13 =	vor.u32 $0x300, v3;
	v12 =	vld.idx.msk [tilespmem:v14+s2+$0x0], $0xffff;
	[tilespmem:s21+$0x3000] =	vst v6  }
0x4b: {  	v5 =	vor.u32 $0x380, v5;
	v16 =	vld.idx.msk [tilespmem:v16+s2+$0x0], $0xffff;
	[tilespmem:s29+$0x0] =	vst v15  }
0x4c: {  	s23 =	sor.u32 $0x280, s20;
	v17 =	vor.u32 $0x100, v2;
	v15 =	vld.idx.msk [tilespmem:v19+s2+$0x0], $0xffff;
	[tilespmem:s22+$0x0] =	vst v18  }
0x4d: {  	s25 =	sor.u32 $0x280, s0;
	v18 =	vor.u32 $0x100, v1;
	[tilespmem:s23+$0x3000] =	vst v11;
	v7 =	vld.idx.msk [tilespmem:v7+s2+$0x0], $0xffff  }
0x4e: {  	s24 =	sor.u32 $0x300, s1;
	v6 =	vor.u32 $0x100, v21;
	[tilespmem:s25+$0x3000] =	vst v22;
	v23 =	vld.idx.msk [tilespmem:v9+s2+$0x0], $0xffff  }
0x4f: {  	v20 =	vor.u32 $0x100, v10;
	v14 =	vld.idx.msk [tilespmem:v13+s2+$0x0], $0xffff;
	[tilespmem:s24+$0x3000] =	vst v12  }
0x50: {  	[tilespmem:s30+$0x80] =	vst v16;
	v16 =	vor.u32 $0x300, v0;
	v24 =	vld.idx.msk [tilespmem:v5+s2+$0x0], $0xffff  }
0x51: {  	v25 =	vor.u32 $0x380, v4;
	[tilespmem:s26+$0x80] =	vst v8;
	v19 =	vld.idx.msk [tilespmem:v17+s2+$0x0], $0xffff  }
0x52: {  	v4 =	vor.u32 $0x380, v21;
	v17 =	vld.idx.msk [tilespmem:v18+s2+$0x0], $0xffff;
	[tilespmem:s29+$0x80] =	vst v15  }
0x53: {  	v11 =	vor.u32 $0x200, v21;
	v22 =	vor.u32 $0x180, v2;
	v13 =	vor.u32 $0x180, v21;
	v18 =	vld.idx.msk [tilespmem:v6+s2+$0x0], $0xffff;
	[tilespmem:s22+$0x80] =	vst v7  }
0x54: {  	s19 =	sor.u32 $0x380, s0;
	s28 =	sor.u32 $0x300, s20;
	s31 =	sor.u32 $0x300, s15;
	v8 =	vor.u32 $0x280, v21;
	v6 =	vor.u32 $0x300, v21;
	v21 =	vor.u32 $0x180, v1;
	v20 =	vld.idx.msk [tilespmem:v20+s2+$0x0], $0xffff  }
0x55: {  	s20 =	sor.u32 $0x380, s20;
	s1 =	sor.u32 $0x380, s1;
	v3 =	vor.u32 $0x380, v3;
	s21 =	simm.s32 $0x4;
	v9 =	vor.u32 $0x200, v10;
	v12 =	vor.u32 $0x180, v10;
	[tilespmem:s31+$0x3000] =	vst v23;
	v15 =	vld.idx.msk [tilespmem:v16+s2+$0x0], $0xffff  }
0x56: {  	s25 =	sor.u32 $0x300, s0;
	s23 =	simm.s32 $0x2080;
	s24 =	sor.u32 $0x380, s15;
	v5 =	vor.u32 $0x300, v10;
	v7 =	vor.u32 $0x280, v10;
	v10 =	vor.u32 $0x380, v10;
	v16 =	vld.idx.msk [tilespmem:v25+s2+$0x0], $0xffff;
	[tilespmem:s1+$0x3000] =	vst v24  }
.LBB2_2:
0x57: {  	v23 =	vld [tilespmem:s23+$0x0];
	[tilespmem:s30+$0x100] =	vst v19;
	s17 =	sadd.s32 $0x40, s17  }
0x58: {  	s21 =	sadd.s32 $0x4, s21;
	s31 =	sand.u32 $0x40, s17;
	s0 =	sand.u32 $0xF80, s17;
	[tilespmem:s26+$0x100] =	vst v17;
	v17 =	vld.idx.msk [tilespmem:v22+s2+$0x0], $0xffff  }
0x59: {  	p1 =	slt.u32 s21, $0xFC;
	s5 =	sor.u32 $0x2000, s0;
	s0 =	sor.u32 $0x30, s31;
	v19 =	vld.idx.msk [tilespmem:v21+s2+$0x0], $0xffff;
	[tilespmem:s29+$0x100] =	vst v18  }
0x5a: {  	s9 =	sor.u32 $0x10, s31;
	s1 =	sor.u32 $0x20, s31;
	v18 =	vor.u32 $0x200, v2;
	s6 =	sor.u32 s0, s5;
	v13 =	vld.idx.msk [tilespmem:v13+s2+$0x0], $0xffff;
	[tilespmem:s22+$0x100] =	vst v20  }
0x5b: {  	v21 =	vor.u32 $0x200, v1;
	s11 =	sor.u32 s9, s5;
	s5 =	sor.u32 s1, s5;
	v20 =	vld [tilespmem:s6+$0x0];
	[tilespmem:s28+$0x3000] =	vst v14  }
0x5c: {  	v14 =	vld [tilespmem:s11+$0x0];
	[tilespmem:s25+$0x3000] =	vst v15  }
0x5d: {  	v15 =	vshll.u32 v23, $0x3;
	v22 =	vld [tilespmem:s5+$0x0];
	[tilespmem:s24+$0x3000] =	vst v16  }
0x5e: {  	v16 =	vand.u32 $0x7F, v23;
	v15 =	vand.u32 $0xFFFFFC00, v15;
	v12 =	vld.idx.msk [tilespmem:v12+s2+$0x0], $0xffff;
	[tilespmem:s30+$0x180] =	vst v17;
	v17 =	vor.u32 $0x380, v0;
	v0 =	vmovc v1  }
0x5f: {  	p0 =	por !p0, !p0;
	s5 =	simm.s32 $0x1;
	v1 =	vor.u32 v16, v15;
	[tilespmem:s26+$0x180] =	vst v19;
	v15 =	vld.idx.msk [tilespmem:v18+s2+$0x0], $0xffff  }
0x60: {  	s5 =	simm.s32 @!p0 $0x0;
	v16 =	vshll.u32 v20, $0x3;
	v18 =	vld.idx.msk [tilespmem:v21+s2+$0x0], $0xffff;
	[tilespmem:s29+$0x180] =	vst v13  }
0x61: {  	s5 =	sshll.u32 s5, $0x6;
	v13 =	vand.u32 $0x7F, v20;
	v16 =	vand.u32 $0xFFFFFC00, v16;
	v19 =	vld.idx.msk [tilespmem:v11+s2+$0x0], $0xffff;
	v11 =	vor.u32 $0x280, v2  }
0x62: {  	s26 =	sadd.s32 s5, s18;
	v20 =	vshll.u32 v14, $0x3;
	v21 =	vshll.u32 v22, $0x3;
	v16 =	vor.u32 v13, v16;
	v23 =	vld.idx.msk [tilespmem:v3+s2+$0x0], $0xffff;
	v3 =	vmovc v10  }
0x63: {  	s24 =	sadd.s32 $0x10, s26;
	s29 =	sadd.s32 $0x20, s26;
	s11 =	sadd.s32 $0x30, s26;
	v10 =	vand.u32 $0x7F, v14;
	v13 =	vand.u32 $0xFFFFFC00, v20;
	v14 =	vand.u32 $0xFFFFFC00, v21;
	v17 =	vld.idx.msk [tilespmem:v17+s2+$0x0], $0xffff  }
0x64: {  	s30 =	sor.u32 $0x200, s24;
	s13 =	sor.u32 $0x200, s11;
	v10 =	vor.u32 v10, v13;
	v13 =	vand.u32 $0x7F, v22;
	v21 =	vor.u32 $0x280, v0;
	v20 =	vld.idx.msk [tilespmem:v1+s2+$0x0], $0xffff;
	[tilespmem:s22+$0x180] =	vst v12;
	s22 =	sor.u32 $0x200, s29  }
0x65: {  	s15 =	sor.u32 $0x200, s26;
	s6 =	sor.u32 $0x280, s24;
	s5 =	sor.u32 $0x280, s29;
	v22 =	vor.u32 $0x80, v10;
	v24 =	vor.u32 $0x100, v10;
	v14 =	vor.u32 v13, v14;
	v25 =	vld.idx.msk [tilespmem:v9+s2+$0x0], $0xffff;
	[tilespmem:s13+$0x3000] =	vst v15  }
0x66: {  	s28 =	sor.u32 $0x300, s29;
	v13 =	vor.u32 $0x180, v10;
	v15 =	vor.u32 $0x80, v14;
	v26 =	vor.u32 $0x100, v14;
	s13 =	sor.u32 $0x300, s24;
	[tilespmem:s15+$0x3000] =	vst v18;
	s15 =	sor.u32 $0x280, s26;
	v18 =	vld.idx.msk [tilespmem:v11+s2+$0x0], $0xffff  }
0x67: {  	s25 =	sor.u32 $0x300, s26;
	s29 =	sor.u32 $0x380, s29;
	v12 =	vor.u32 $0x180, v14;
	v9 =	vor.u32 $0x200, v14;
	s24 =	sor.u32 $0x380, s24;
	v11 =	vor.u32 $0x200, v10;
	v27 =	vld.idx.msk [tilespmem:v16+s2+$0x0], $0xffff;
	[tilespmem:s30+$0x3000] =	vst v19  }
0x68: {  	v29 =	vor.u32 $0x300, v2;
	s26 =	sor.u32 $0x380, s26;
	v19 =	vor.u32 $0x280, v14;
	v28 =	vld.idx.msk [tilespmem:v8+s2+$0x0], $0xffff;
	v8 =	vor.u32 $0x280, v10;
	[tilespmem:s20+$0x3000] =	vst v23;
	s20 =	smov.u32 s29  }
0x69: {  	s18 =	sadd.s32 $0x200, s18;
	v32 =	vor.u32 $0x80, v16;
	v30 =	vor.u32 $0x300, v10;
	v31 =	vor.u32 $0x300, v14;
	v23 =	vld.idx.msk [tilespmem:v10+s2+$0x0], $0xffff;
	[tilespmem:s19+$0x3000] =	vst v17;
	s19 =	smov.u32 s26  }
0x6a: {  	v33 =	vor.u32 $0x380, v10;
	s26 =	sand.u32 $0x7C00, s18;
	v17 =	vor.u32 $0x80, v1;
	v10 =	vor.u32 $0x380, v14;
	v34 =	vld.idx.msk [tilespmem:v14+s2+$0x0], $0xffff  }
0x6b: {  	s7 =	sadd.s32 $0x3000, s26;
	v35 =	vld.idx.msk [tilespmem:v21+s2+$0x0], $0xffff;
	[tilespmem:s22+$0x3000] =	vst v25;
	s22 =	sor.u32 $0x280, s11  }
0x6c: {  	s26 =	sor.u32 s31, s7;
	s29 =	sor.u32 s9, s7;
	s30 =	sor.u32 s0, s7;
	v14 =	vld.idx.msk [tilespmem:v7+s2+$0x0], $0xffff;
	[tilespmem:s22+$0x3000] =	vst v18;
	v7 =	vmov v19  }
0x6d: {  	s22 =	sor.u32 s1, s7;
	[tilespmem:s30+$0x0] =	vst v27;
	v18 =	vld.idx.msk [tilespmem:v29+s2+$0x0], $0xffff  }
0x6e: {  	[tilespmem:s26+$0x0] =	vst v20;
	v19 =	vld.idx.msk [tilespmem:v32+s2+$0x0], $0xffff  }
0x6f: {  	v20 =	vor.u32 $0x380, v2;
	v2 =	vmov v16;
	v17 =	vld.idx.msk [tilespmem:v17+s2+$0x0], $0xffff;
	[tilespmem:s29+$0x0] =	vst v23  }
0x70: {  	v21 =	vor.u32 $0x100, v2;
	v16 =	vld.idx.msk [tilespmem:v22+s2+$0x0], $0xffff;
	[tilespmem:s22+$0x0] =	vst v34  }
0x71: {  	v22 =	vor.u32 $0x100, v1;
	v15 =	vld.idx.msk [tilespmem:v15+s2+$0x0], $0xffff;
	[tilespmem:s6+$0x3000] =	vst v28  }
0x72: {  	s0 =	sor.u32 $0x300, s11;
	v23 =	vld.idx.msk [tilespmem:v6+s2+$0x0], $0xffff;
	[tilespmem:s5+$0x3000] =	vst v14;
	v6 =	vmov v30  }
0x73: {  	v14 =	vld.idx.msk [tilespmem:v5+s2+$0x0], $0xffff;
	[tilespmem:s0+$0x3000] =	vst v18;
	v5 =	vmov v31  }
0x74: {  	v25 =	vor.u32 $0x300, v0;
	[tilespmem:s30+$0x80] =	vst v19;
	v27 =	vld.idx.msk [tilespmem:v20+s2+$0x0], $0xffff  }
0x75: {  	[tilespmem:s26+$0x80] =	vst v17;
	v19 =	vld.idx.msk [tilespmem:v21+s2+$0x0], $0xffff  }
.Ltmp0:
0x76: {  	v17 =	vld.idx.msk [tilespmem:v22+s2+$0x0], $0xffff;
	[tilespmem:s29+$0x80] =	vst v16;
	(pc) =	sbr.rel @p1 .LBB2_2-.Ltmp0, $4  }
0x77: {  	v22 =	vor.u32 $0x180, v2;
	v18 =	vld.idx.msk [tilespmem:v24+s2+$0x0], $0xffff;
	[tilespmem:s22+$0x80] =	vst v15  }
0x78: {  	v21 =	vor.u32 $0x180, v1;
	v20 =	vld.idx.msk [tilespmem:v26+s2+$0x0], $0xffff;
	[tilespmem:s15+$0x3000] =	vst v35  }
0x79: {  	s0 =	sor.u32 $0x380, s11;
	v15 =	vld.idx.msk [tilespmem:v25+s2+$0x0], $0xffff;
	[tilespmem:s13+$0x3000] =	vst v23  }
0x7a: {  	s23 =	sadd.s32 $0x40, s23;
	v16 =	vld.idx.msk [tilespmem:v4+s2+$0x0], $0xffff;
	[tilespmem:s0+$0x3000] =	vst v27;
	v4 =	vmov v33  }
0x7b: {  	_ =	sdelay $0x2  }
0x7c: {  	[tilespmem:s30+$0x100] =	vst v19  }
0x7d: {  	[tilespmem:s26+$0x100] =	vst v17;
	v19 =	vld.idx.msk [tilespmem:v22+s2+$0x0], $0xffff  }
0x7e: {  	v52 =	vor.u32 $0x200, v2;
	[tilespmem:s29+$0x100] =	vst v18;
	v17 =	vld.idx.msk [tilespmem:v21+s2+$0x0], $0xffff  }
0x7f: {  	v53 =	vor.u32 $0x200, v1;
	v13 =	vld.idx.msk [tilespmem:v13+s2+$0x0], $0xffff;
	[tilespmem:s22+$0x100] =	vst v20  }
0x80: {  	v12 =	vld.idx.msk [tilespmem:v12+s2+$0x0], $0xffff;
	_ =	sdelay $0x1  }
0x81: {  	p0 =	por !p0, !p0;
	s0 =	simm.s32 $0x1;
	[tilespmem:s30+$0x180] =	vst v19  }
0x82: {  	s0 =	simm.s32 @!p0 $0x0;
	[tilespmem:s26+$0x180] =	vst v17;
	v18 =	vld.idx.msk [tilespmem:v52+s2+$0x0], $0xffff  }
0x83: {  	v54 =	vor.u32 $0x280, v2;
	s0 =	sshll.u32 s0, $0x6;
	[tilespmem:s29+$0x180] =	vst v13;
	v55 =	vld.idx.msk [tilespmem:v53+s2+$0x0], $0xffff  }
0x84: {  	v56 =	vor.u32 $0x280, v1;
	s0 =	sadd.s32 s0, s18;
	v11 =	vld.idx.msk [tilespmem:v11+s2+$0x0], $0xffff;
	[tilespmem:s22+$0x180] =	vst v12  }
0x85: {  	s1 =	sadd.s32 $0x30, s0;
	v9 =	vld.idx.msk [tilespmem:v9+s2+$0x0], $0xffff  }
0x86: {  	s6 =	sor.u32 $0x200, s1  }
0x87: {  	s5 =	sadd.s32 $0x10, s0;
	s31 =	sor.u32 $0x200, s0;
	[tilespmem:s6+$0x3000] =	vst v18  }
0x88: {  	s7 =	sadd.s32 $0x20, s0;
	s29 =	sor.u32 $0x200, s5;
	[tilespmem:s31+$0x3000] =	vst v55;
	v57 =	vld.idx.msk [tilespmem:v54+s2+$0x0], $0xffff  }
0x89: {  	v58 =	vor.u32 $0x300, v2;
	s30 =	sor.u32 $0x200, s7;
	[tilespmem:s29+$0x3000] =	vst v11;
	v12 =	vld.idx.msk [tilespmem:v56+s2+$0x0], $0xffff  }
0x8a: {  	v59 =	vor.u32 $0x300, v1;
	[tilespmem:s30+$0x3000] =	vst v9;
	v8 =	vld.idx.msk [tilespmem:v8+s2+$0x0], $0xffff  }
0x8b: {  	v7 =	vld.idx.msk [tilespmem:v7+s2+$0x0], $0xffff  }
0x8c: {  	[tilespmem:s28+$0x3000] =	vst v14;
	s9 =	sor.u32 $0x280, s1  }
0x8d: {  	s15 =	sor.u32 $0x280, s0;
	[tilespmem:s9+$0x3000] =	vst v57  }
0x8e: {  	v0 =	vor.u32 $0x380, v0;
	s11 =	sor.u32 $0x280, s5;
	[tilespmem:s15+$0x3000] =	vst v12;
	v60 =	vld.idx.msk [tilespmem:v58+s2+$0x0], $0xffff  }
0x8f: {  	v61 =	vor.u32 $0x380, v2;
	s13 =	sor.u32 $0x280, s7;
	[tilespmem:s11+$0x3000] =	vst v8;
	v62 =	vld.idx.msk [tilespmem:v59+s2+$0x0], $0xffff  }
0x90: {  	v63 =	vor.u32 $0x380, v1;
	[tilespmem:s13+$0x3000] =	vst v7;
	v6 =	vld.idx.msk [tilespmem:v6+s2+$0x0], $0xffff  }
0x91: {  	[tilespmem:s25+$0x3000] =	vst v15;
	v5 =	vld.idx.msk [tilespmem:v5+s2+$0x0], $0xffff  }
0x92: {  	v3 =	vld.idx.msk [tilespmem:v3+s2+$0x0], $0xffff;
	[tilespmem:s24+$0x3000] =	vst v16;
	s17 =	sor.u32 $0x300, s1  }
0x93: {  	v0 =	vld.idx.msk [tilespmem:v0+s2+$0x0], $0xffff;
	s22 =	sor.u32 $0x300, s0;
	[tilespmem:s17+$0x3000] =	vst v60  }
0x94: {  	s18 =	sor.u32 $0x300, s5;
	[tilespmem:s22+$0x3000] =	vst v62;
	v2 =	vld.idx.msk [tilespmem:v61+s2+$0x0], $0xffff  }
0x95: {  	s21 =	sor.u32 $0x300, s7;
	[tilespmem:s18+$0x3000] =	vst v6;
	v1 =	vld.idx.msk [tilespmem:v63+s2+$0x0], $0xffff  }
0x96: {  	[tilespmem:s21+$0x3000] =	vst v5;
	v4 =	vld.idx.msk [tilespmem:v4+s2+$0x0], $0xffff  }
0x97: {  	[tilespmem:s20+$0x3000] =	vst v3;
	v5 =	vld.idx.msk [tilespmem:v10+s2+$0x0], $0xffff  }
0x98: {  	s1 =	sor.u32 $0x380, s1;
	[tilespmem:s19+$0x3000] =	vst v0  }
0x99: {  	s0 =	sor.u32 $0x380, s0;
	[tilespmem:s1+$0x3000] =	vst v2  }
0x9a: {  	s23 =	sor.u32 $0x380, s5;
	[tilespmem:s0+$0x3000] =	vst v1  }
0x9b: {  	s24 =	sor.u32 $0x380, s7;
	[tilespmem:s23+$0x3000] =	vst v4  }
0x9c: {  	s25 =	sadd.s32 s3, s4;
	s26 =	simm.s32 $0x3000;
	[tilespmem:s24+$0x3000] =	vst v5  }
0x9d: {  	[hbm4b:s25+s2] =	stream.linear.scatter [tilespmem:s26], [sflag:$0x1], $0x2000, $0x38;
	[tilespmem:$0xB000] =	vst v63  }
0x9e: {  	_ =	swait.ge [sflag:s8], $0x2000  }
0x9f: {  	[sflag:s8] =	ssyncset.done $0x0  }
0xa0: {  	s28 =	simm.s32 $0x5000;
	[sflag:s8] =	ssyncadd.s32 $0xFFFFE000  }
0xa1: {  	[hbm4b:s10+s2] =	stream.linear.scatter [tilespmem:s28], [sflag:$0x1], $0x2000, $0x38;
	[tilespmem:$0xB000] =	vst v63  }
0xa2: {  	_ =	swait.ge [sflag:s8], $0x2000  }
0xa3: {  	[sflag:s8] =	ssyncset.done $0x0  }
0xa4: {  	s29 =	simm.s32 $0x7000;
	[sflag:s8] =	ssyncadd.s32 $0xFFFFE000  }
0xa5: {  	[hbm4b:s12+s2] =	stream.linear.scatter [tilespmem:s29], [sflag:$0x1], $0x2000, $0x38;
	[tilespmem:$0xB000] =	vst v63  }
0xa6: {  	_ =	swait.ge [sflag:s8], $0x2000  }
0xa7: {  	[sflag:s8] =	ssyncset.done $0x0  }
0xa8: {  	s30 =	simm.s32 $0x9000;
	[sflag:s8] =	ssyncadd.s32 $0xFFFFE000  }
0xa9: {  	[hbm4b:s14+s2] =	stream.linear.scatter [tilespmem:s30], [sflag:$0x1], $0x2000, $0x38;
	[tilespmem:$0xB000] =	vst v63  }
0xaa: {  	_ =	swait.ge [sflag:s8], $0x2000  }
0xab: {  	s16 =	sadd.s32 $0x1, s16;
	s31 =	rddreg [dreg:$0x6]  }
0xac: {  	p0 =	sne.s32 s16, s31  }
.Ltmp1:
0xad: {  	_ = 	snop;
	(pc) =	sbr.rel @p0 .LBB2_1-.Ltmp1, $3  }
0xae: {  	_ =	sdelay $0x1  }
0xaf: {  	[sflag:s8] =	ssyncset.done $0x0  }
0xb0: {  	[sflag:s8] =	ssyncadd.s32 $0xFFFFE000  }
0xb1: {  	_ =	sfence.sel $0x180000  }
0xb2: {  	[bflag:$0x0] =	sbarrier.arrive $0xFFFF  }
0xb3: {  	_ =	strace $0x90000047  }
0xb4: {  	s0 =	stileid.u32;
	[bflag:$0x2] =	sbarrier.arrive $0xFFFF  }
0xb5: {  	p0 =	sne.s32 s0, $0x0;
	s0 =	rddreg [dreg:$0x3]  }
0xb6: {  	s0 =	sadd.s32 @!p0 $0x100000, s0  }
0xb7: {  	[sflag:s0] =	ssyncadd.tile.s32 @!p0 $0x1;
	_ =	shalt  }
.Lfunc_end2:
_tile_overlayer_lowered:
.L_overlay_start_2:
0xb8: {  	(tag) =	ssettag $0x2  }
0xb9: {  	s0 =	rddreg [dreg:$0x0];
	s2 =	stileid.u32  }
0xba: {  	s1 =	rddreg [dreg:$0x1];
	p0 =	sne.s32 s2, $0x0  }
0xbb: {  	s3 =	rddreg [dreg:$0x2];
	[bflag:$0x3] =	sbarrier.arrive $0xFFFF;
	s2 =	simm.s32 @!p0 $0x1C01  }
0xbc: {  	[timem:s3], [sflag:s2] =	dma.local @!p0 [hbm:s0], s1  }
0xbd: {  	s0 =	simm.s32 @!p0 $0x1  }
0xbe: {  	_ =	swait.ge @!p0 [sflag:s0], s1  }
0xbf: {  	s1 =	ssub.s32 @!p0 $0x0, s1;
	[sflag:s0] =	ssyncset.done @!p0 $0x0  }
0xc0: {  	[sflag:s0] =	ssyncadd.s32 @!p0 s1  }
0xc1: {  	[bflag:$0x3] =	sbarrier.arrive $0xFFFF  }
0xc2: {  	_ =	shalt  }

</sc_bundles>
